<compile_context>
chip_gen: v7x
topology: tpu7x:2x2x1
jax: 0.10.2.dev20260603
libtpu: 0.0.44.dev20260713+nightly
codegen_flags: <defaults>
</compile_context>

<pallas_src>
import jax
import jax.numpy as jnp
from jax.experimental import pallas as pl
from jax.experimental.pallas import tpu as pltpu

V = 2048
K = 8
TOPK = 9
ROWS = 256


def _knn_body(vcol_ref, vrow_ref, out_ref):
    xi = vcol_ref[:, 0:1]
    yi = vcol_ref[:, 1:2]
    zi = vcol_ref[:, 2:3]
    xj = vrow_ref[0:1, :]
    yj = vrow_ref[1:2, :]
    zj = vrow_ref[2:3, :]
    dx = xi - xj
    dy = yi - yj
    dz = zi - zj
    sq = (dx * dx + dy * dy) + dz * dz
    dist = jnp.sqrt(jnp.maximum(sq, 1e-12))
    idxs = jax.lax.broadcasted_iota(jnp.int32, dist.shape, 1)
    out_ref[...] = jnp.zeros((ROWS, 16), jnp.int32)
    d = dist
    big = jnp.float32(jnp.inf)
    for t in range(TOPK):
        m = jnp.min(d, axis=1, keepdims=True)
        cand = jnp.where(d == m, idxs, V)
        j = jnp.min(cand, axis=1, keepdims=True)
        out_ref[:, t : t + 1] = j
        d = jnp.where(idxs == j, big, d)


def _knn(v):
    vrow = v.T
    return pl.pallas_call(
        _knn_body,
        grid=(V // ROWS,),
        in_specs=[
            pl.BlockSpec((ROWS, 3), lambda i: (i, 0)),
            pl.BlockSpec((3, V), lambda i: (0, 0)),
        ],
        out_specs=pl.BlockSpec((ROWS, 16), lambda i: (i, 0)),
        out_shape=jax.ShapeDtypeStruct((V, 16), jnp.int32),
    )(v, vrow)


def _compute_bc(template, projections):
    Vn, Kn = projections.shape[0], projections.shape[1]
    diff = template[None, :, :, None, :] - projections[:, None, None, :, :]
    dists = jnp.sqrt(jnp.maximum(jnp.sum(diff * diff, axis=-1), 1e-12))
    hierarchy = jnp.argsort(dists, axis=-1)
    iv = jnp.arange(Vn)[:, None, None, None]
    other_proj = projections[iv, hierarchy]
    closest_proj = other_proj[:, :, :, 0:1, :]
    v0 = other_proj - closest_proj
    v1 = v0
    v2 = template[None, :, :, None, :] - closest_proj
    v2s = v2[:, :, :, 0, :]
    dot00 = jnp.einsum('vrani,vrani->vran', v0, v0)
    dot01 = jnp.einsum('vrani,vrami->vranm', v0, v1)
    dot02 = jnp.einsum('vrani,vrai->vran', v0, v2s)
    dot11 = jnp.einsum('vrani,vrani->vran', v1, v1)
    dot12 = jnp.einsum('vrani,vrai->vran', v1, v2s)
    den = jnp.einsum('vran,vram->vranm', dot00, dot11) - dot01 * dot01
    den = jnp.where(den == 0.0, 1e-10, den)
    p2 = (jnp.einsum('vram,vran->vranm', dot11, dot02) - jnp.einsum('vranm,vram->vranm', dot01, dot12)) / den
    p1 = (jnp.einsum('vran,vram->vranm', dot00, dot12) - jnp.einsum('vranm,vran->vranm', dot01, dot02)) / den
    p0 = 1.0 - p2 - p1
    weights = jnp.stack([p0, p2, p1], axis=-1)
    score = jnp.max(jnp.abs(weights), axis=-1) + jnp.sum(jax.nn.relu(-weights), axis=-1)
    R, A = template.shape[0], template.shape[1]
    flat = score.reshape(Vn, R, A, Kn * Kn)
    amin = jnp.argmin(flat, axis=-1)
    row = amin // Kn
    col = amin % Kn
    iv3 = jnp.arange(Vn)[:, None, None]
    ir = jnp.arange(R)[None, :, None]
    ia = jnp.arange(A)[None, None, :]
    w_sel = weights[iv3, ir, ia, row, col]
    bc_idx = jnp.stack([row, col], axis=-1)
    bc_proj = jnp.take_along_axis(hierarchy, bc_idx, axis=3)
    bc_indices = jnp.concatenate([hierarchy[:, :, :, 0:1], bc_proj], axis=-1).astype(jnp.int32)
    return w_sel, bc_indices


def _per_batch(v, template):
    nbr16 = _knn(v)
    nbr_idx = nbr16[:, :K]
    idx9 = nbr16[:, K]
    neighborhoods = v[nbr_idx] - v[:, None, :]
    d = jnp.sqrt(jnp.maximum(jnp.sum(neighborhoods * neighborhoods, axis=-1), 1e-12))
    rdiff = v[idx9] - v
    rx, ry, rz = rdiff[:, 0], rdiff[:, 1], rdiff[:, 2]
    radii = jnp.sqrt(jnp.maximum((rx * rx + ry * ry) + rz * rz, 1e-12))
    w = jax.nn.relu(radii[:, None] - d)
    cov = jnp.einsum('vk,vki,vkj->vij', w, neighborhoods, neighborhoods) / (
        jnp.sum(w, axis=-1)[:, None, None] + 1e-10)
    evals, evecs = jnp.linalg.eigh(cov)
    lrf = evecs[:, :, ::-1]
    coords = jnp.einsum('vki,vij->vkj', neighborhoods, lrf)
    tangent = coords[:, :, :2]
    n2 = jnp.sqrt(jnp.maximum(jnp.sum(tangent * tangent, axis=-1), 1e-12))
    projections = tangent * (d / n2)[:, :, None]
    w_bc, bc_idx = _compute_bc(template, projections)
    proj_indices = nbr_idx[jnp.arange(V)[:, None, None, None], bc_idx].astype(jnp.float32)
    return jnp.stack([proj_indices, w_bc], axis=-1)


def kernel(vertices, template):
    return jax.vmap(lambda v: _per_batch(v, template))(vertices)

# --- scband reference (transcript-rebuilt; emitter-appended) ---
"""Pipeline reference for scband-barycentric-coordinates-53266184405263 (READ-ONLY COPY).

The authoritative reference and input builder live on the scoring server;
editing this copy changes nothing except your own understanding.
"""

import jax, jax.numpy as jnp
import numpy as np

N_RADIAL = 5
N_ANGULAR = 8
N_NEIGHBORS = 8
TEMPLATE_SCALE = 0.75
TEMPLATE_RADIUS = 0.35 * TEMPLATE_SCALE


def create_template_matrix(n_radial, n_angular, radius):
    r = radius * (np.arange(1, n_radial + 1, dtype=np.float64) / n_radial)
    th = 2.0 * np.pi * np.arange(n_angular, dtype=np.float64) / n_angular
    x = r[:, None] * np.cos(th)[None, :]
    y = r[:, None] * np.sin(th)[None, :]
    return np.stack([x, y], axis=-1).astype(np.float32)


def setup_inputs(seed: int = 0):
    key = jax.random.key(seed)
    vertices = jax.random.normal(key, (1, 2048, 3), dtype=jnp.float32)
    template = jnp.asarray(create_template_matrix(N_RADIAL, N_ANGULAR, TEMPLATE_RADIUS))
    return {"vertices": vertices, "template": template}


def compute_bc(template, projections):
    V, K = projections.shape[0], projections.shape[1]
    R, A = template.shape[0], template.shape[1]
    diff = template[None, :, :, None, :] - projections[:, None, None, :, :]
    dists = jnp.sqrt(jnp.maximum(jnp.sum(diff * diff, axis=-1), 1e-12))
    hierarchy = jnp.argsort(dists, axis=-1)
    iv = jnp.arange(V)[:, None, None, None]
    other_proj = projections[iv, hierarchy]
    closest_proj = other_proj[:, :, :, 0:1, :]
    v0 = other_proj - closest_proj
    v1 = v0
    v2 = template[None, :, :, None, :] - closest_proj
    v2s = v2[:, :, :, 0, :]
    dot00 = jnp.einsum('vrani,vrani->vran', v0, v0)
    dot01 = jnp.einsum('vrani,vrami->vranm', v0, v1)
    dot02 = jnp.einsum('vrani,vrai->vran', v0, v2s)
    dot11 = jnp.einsum('vrani,vrani->vran', v1, v1)
    dot12 = jnp.einsum('vrani,vrai->vran', v1, v2s)
    den = jnp.einsum('vran,vram->vranm', dot00, dot11) - dot01 * dot01
    den = jnp.where(den == 0.0, 1e-10, den)
    p2 = (jnp.einsum('vram,vran->vranm', dot11, dot02) - jnp.einsum('vranm,vram->vranm', dot01, dot12)) / den
    p1 = (jnp.einsum('vran,vram->vranm', dot00, dot12) - jnp.einsum('vranm,vran->vranm', dot01, dot02)) / den
    p0 = 1.0 - p2 - p1
    weights = jnp.stack([p0, p2, p1], axis=-1)
    score = jnp.max(jnp.abs(weights), axis=-1) + jnp.sum(jax.nn.relu(-weights), axis=-1)
    flat = score.reshape(V, R, A, K * K)
    amin = jnp.argmin(flat, axis=-1)
    row = amin // K
    col = amin % K
    iv3 = jnp.arange(V)[:, None, None]
    ir = jnp.arange(R)[None, :, None]
    ia = jnp.arange(A)[None, None, :]
    w_sel = weights[iv3, ir, ia, row, col]
    bc_idx = jnp.stack([row, col], axis=-1)
    bc_proj = jnp.take_along_axis(hierarchy, bc_idx, axis=3)
    bc_indices = jnp.concatenate([hierarchy[:, :, :, 0:1], bc_proj], axis=-1).astype(jnp.int32)
    return w_sel, bc_indices


def call_helper(vertices, template, n_neighbors):
    V = vertices.shape[0]
    sq = jnp.sum((vertices[:, None, :] - vertices[None, :, :]) ** 2, axis=-1)
    dist = jnp.sqrt(jnp.maximum(sq, 1e-12))
    order = jnp.argsort(dist, axis=-1)
    radii = jnp.take_along_axis(dist, order[:, n_neighbors][:, None], axis=-1)[:, 0]
    nbr_idx = order[:, :n_neighbors]
    neighborhoods = vertices[nbr_idx] - vertices[:, None, :]
    d = jnp.sqrt(jnp.maximum(jnp.sum(neighborhoods * neighborhoods, axis=-1), 1e-12))
    w = jax.nn.relu(radii[:, None] - d)
    cov = jnp.einsum('vk,vki,vkj->vij', w, neighborhoods, neighborhoods) / (jnp.sum(w, axis=-1)[:, None, None] + 1e-10)
    evals, evecs = jnp.linalg.eigh(cov)
    lrf = evecs[:, :, ::-1]
    coords = jnp.einsum('vki,vij->vkj', neighborhoods, lrf)
    tangent = coords[:, :, :2]
    n2 = jnp.sqrt(jnp.maximum(jnp.sum(tangent * tangent, axis=-1), 1e-12))
    projections = tangent * (d / n2)[:, :, None]
    w_bc, bc_idx = compute_bc(template, projections)
    proj_indices = nbr_idx[jnp.arange(V)[:, None, None, None], bc_idx].astype(jnp.float32)
    return jnp.stack([proj_indices, w_bc], axis=-1)


def reference(vertices, template):
    return jax.vmap(lambda v: call_helper(v, template, N_NEIGHBORS))(vertices)

if __name__ == "__main__":
    import jax
    _d = setup_inputs()
    print(jax.jit(kernel)(*tuple(_d.values())))

</pallas_src>

<mosaic_0001>
module attributes {stable_mosaic.version = 14 : i64} {
  func.func @_knn_body(%arg0: i32, %arg1: memref<256x3xf32, #tpu.memory_space<vmem>>, %arg2: memref<3x2048xf32, #tpu.memory_space<vmem>>, %arg3: memref<256x16xi32, #tpu.memory_space<vmem>>) attributes {dimension_semantics = [#tpu.dimension_semantics<arbitrary>], iteration_bounds = array<i64: 8>, scalar_prefetch = 0 : i64, scratch_operands = 0 : i64, tpu.core_type = #tpu.core_type<tc>, window_params = [{transform_indices = @transform_0, window_bounds = array<i64: 256, 3>}, {pipeline_mode = #tpu.pipeline_mode<synchronous>, transform_indices = @transform_1, window_bounds = array<i64: 3, 2048>}, {transform_indices = @transform_2, window_bounds = array<i64: 256, 16>}]} {
    %get3A = arith.constant 0 : index
    %get3A_0 = arith.constant 0 : index
    %get3A_1 = vector.load %arg1[%get3A, %get3A_0] : memref<256x3xf32, #tpu.memory_space<vmem>>, vector<256x1xf32>
    %get3A_2 = arith.constant 0 : index
    %get3A_3 = arith.constant 1 : index
    %get3A_4 = vector.load %arg1[%get3A_2, %get3A_3] : memref<256x3xf32, #tpu.memory_space<vmem>>, vector<256x1xf32>
    %get3A_5 = arith.constant 0 : index
    %get3A_6 = arith.constant 2 : index
    %get3A_7 = vector.load %arg1[%get3A_5, %get3A_6] : memref<256x3xf32, #tpu.memory_space<vmem>>, vector<256x1xf32>
    %get3A_8 = arith.constant 0 : index
    %get3A_9 = arith.constant 0 : index
    %get3A_10 = vector.load %arg2[%get3A_8, %get3A_9] : memref<3x2048xf32, #tpu.memory_space<vmem>>, vector<1x2048xf32>
    %get3A_11 = arith.constant 1 : index
    %get3A_12 = arith.constant 0 : index
    %get3A_13 = vector.load %arg2[%get3A_11, %get3A_12] : memref<3x2048xf32, #tpu.memory_space<vmem>>, vector<1x2048xf32>
    %get3A_14 = arith.constant 2 : index
    %get3A_15 = arith.constant 0 : index
    %get3A_16 = vector.load %arg2[%get3A_14, %get3A_15] : memref<3x2048xf32, #tpu.memory_space<vmem>>, vector<1x2048xf32>
    %sub3A = vector.broadcast %get3A_1 : vector<256x1xf32> to vector<256x2048xf32>
    %sub3A_17 = vector.broadcast %get3A_10 : vector<1x2048xf32> to vector<256x2048xf32>
    %sub3A_18 = arith.subf %sub3A, %sub3A_17 : vector<256x2048xf32>
    %sub3A_19 = vector.broadcast %get3A_4 : vector<256x1xf32> to vector<256x2048xf32>
    %sub3A_20 = vector.broadcast %get3A_13 : vector<1x2048xf32> to vector<256x2048xf32>
    %sub3A_21 = arith.subf %sub3A_19, %sub3A_20 : vector<256x2048xf32>
    %sub3A_22 = vector.broadcast %get3A_7 : vector<256x1xf32> to vector<256x2048xf32>
    %sub3A_23 = vector.broadcast %get3A_16 : vector<1x2048xf32> to vector<256x2048xf32>
    %sub3A_24 = arith.subf %sub3A_22, %sub3A_23 : vector<256x2048xf32>
    %mul3A = arith.mulf %sub3A_18, %sub3A_18 : vector<256x2048xf32>
    %mul3A_25 = arith.mulf %sub3A_21, %sub3A_21 : vector<256x2048xf32>
    %add3A = arith.addf %mul3A, %mul3A_25 : vector<256x2048xf32>
    %mul3A_26 = arith.mulf %sub3A_24, %sub3A_24 : vector<256x2048xf32>
    %add3A_27 = arith.addf %add3A, %mul3A_26 : vector<256x2048xf32>
    %max3A = arith.constant 9.99999996E-13 : f32
    %max3A_28 = vector.broadcast %max3A : f32 to vector<256x2048xf32>
    %max3A_29 = arith.maximumf %add3A_27, %max3A_28 : vector<256x2048xf32>
    %sqrt3A = math.sqrt %max3A_29 : vector<256x2048xf32>
    %iota3A = tpu.iota {dimensions = array<i32: 1>} : vector<256x2048xi32>
    %broadcast_in_dim3A = arith.constant 0 : i32
    %broadcast_in_dim3A_30 = vector.broadcast %broadcast_in_dim3A : i32 to vector<256x16xi32>
    %swap3A = arith.constant 0 : index
    %swap3A_31 = arith.constant 0 : index
    %swap3A_32 = vector.load %arg3[%swap3A, %swap3A_31] : memref<256x16xi32, #tpu.memory_space<vmem>>, vector<256x16xi32>
    tpu.vector_store %arg3[%swap3A, %swap3A_31], %broadcast_in_dim3A_30 {strides = array<i32>} : memref<256x16xi32, #tpu.memory_space<vmem>>, vector<256x16xi32>,
    %reduce_min3A = arith.constant dense<0x7F800000> : vector<256xf32>
    %reduce_min3A_33 = vector.multi_reduction <minimumf>, %sqrt3A, %reduce_min3A [1] : vector<256x2048xf32> to vector<256xf32>
    %broadcast_in_dim3A_34 = vector.shape_cast %reduce_min3A_33 : vector<256xf32> to vector<256x1xf32>
    %eq3A = vector.broadcast %broadcast_in_dim3A_34 : vector<256x1xf32> to vector<256x2048xf32>
    %eq3A_35 = arith.cmpf oeq, %sqrt3A, %eq3A : vector<256x2048xf32>
    %jit3A = arith.constant 2048 : i32
    %broadcast_in_dim3A_36 = vector.broadcast %jit3A : i32 to vector<256x2048xi32>
    %select_n3A = arith.select %eq3A_35, %iota3A, %broadcast_in_dim3A_36 : vector<256x2048xi1>, vector<256x2048xi32>
    %reduce_min3A_37 = arith.constant dense<2147483647> : vector<256xi32>
    %reduce_min3A_38 = vector.multi_reduction <minsi>, %select_n3A, %reduce_min3A_37 [1] : vector<256x2048xi32> to vector<256xi32>
    %broadcast_in_dim3A_39 = vector.shape_cast %reduce_min3A_38 : vector<256xi32> to vector<256x1xi32>
    %swap3A_40 = arith.constant 0 : index
    %swap3A_41 = arith.constant 0 : index
    %swap3A_42 = vector.load %arg3[%swap3A_40, %swap3A_41] : memref<256x16xi32, #tpu.memory_space<vmem>>, vector<256x1xi32>
    tpu.vector_store %arg3[%swap3A_40, %swap3A_41], %broadcast_in_dim3A_39 {strides = array<i32>} : memref<256x16xi32, #tpu.memory_space<vmem>>, vector<256x1xi32>,
    %eq3A_43 = vector.broadcast %broadcast_in_dim3A_39 : vector<256x1xi32> to vector<256x2048xi32>
    %eq3A_44 = arith.cmpi eq, %iota3A, %eq3A_43 : vector<256x2048xi32>
    %jit3A_45 = arith.constant 0x7F800000 : f32
    %broadcast_in_dim3A_46 = vector.broadcast %jit3A_45 : f32 to vector<256x2048xf32>
    %select_n3A_47 = arith.select %eq3A_44, %broadcast_in_dim3A_46, %sqrt3A : vector<256x2048xi1>, vector<256x2048xf32>
    %reduce_min3A_48 = arith.constant dense<0x7F800000> : vector<256xf32>
    %reduce_min3A_49 = vector.multi_reduction <minimumf>, %select_n3A_47, %reduce_min3A_48 [1] : vector<256x2048xf32> to vector<256xf32>
    %broadcast_in_dim3A_50 = vector.shape_cast %reduce_min3A_49 : vector<256xf32> to vector<256x1xf32>
    %eq3A_51 = vector.broadcast %broadcast_in_dim3A_50 : vector<256x1xf32> to vector<256x2048xf32>
    %eq3A_52 = arith.cmpf oeq, %select_n3A_47, %eq3A_51 : vector<256x2048xf32>
    %jit3A_53 = arith.constant 2048 : i32
    %broadcast_in_dim3A_54 = vector.broadcast %jit3A_53 : i32 to vector<256x2048xi32>
    %select_n3A_55 = arith.select %eq3A_52, %iota3A, %broadcast_in_dim3A_54 : vector<256x2048xi1>, vector<256x2048xi32>
    %reduce_min3A_56 = arith.constant dense<2147483647> : vector<256xi32>
    %reduce_min3A_57 = vector.multi_reduction <minsi>, %select_n3A_55, %reduce_min3A_56 [1] : vector<256x2048xi32> to vector<256xi32>
    %broadcast_in_dim3A_58 = vector.shape_cast %reduce_min3A_57 : vector<256xi32> to vector<256x1xi32>
    %swap3A_59 = arith.constant 0 : index
    %swap3A_60 = arith.constant 1 : index
    %swap3A_61 = vector.load %arg3[%swap3A_59, %swap3A_60] : memref<256x16xi32, #tpu.memory_space<vmem>>, vector<256x1xi32>
    tpu.vector_store %arg3[%swap3A_59, %swap3A_60], %broadcast_in_dim3A_58 {strides = array<i32>} : memref<256x16xi32, #tpu.memory_space<vmem>>, vector<256x1xi32>,
    %eq3A_62 = vector.broadcast %broadcast_in_dim3A_58 : vector<256x1xi32> to vector<256x2048xi32>
    %eq3A_63 = arith.cmpi eq, %iota3A, %eq3A_62 : vector<256x2048xi32>
    %jit3A_64 = arith.constant 0x7F800000 : f32
    %broadcast_in_dim3A_65 = vector.broadcast %jit3A_64 : f32 to vector<256x2048xf32>
    %select_n3A_66 = arith.select %eq3A_63, %broadcast_in_dim3A_65, %select_n3A_47 : vector<256x2048xi1>, vector<256x2048xf32>
    %reduce_min3A_67 = arith.constant dense<0x7F800000> : vector<256xf32>
    %reduce_min3A_68 = vector.multi_reduction <minimumf>, %select_n3A_66, %reduce_min3A_67 [1] : vector<256x2048xf32> to vector<256xf32>
    %broadcast_in_dim3A_69 = vector.shape_cast %reduce_min3A_68 : vector<256xf32> to vector<256x1xf32>
    %eq3A_70 = vector.broadcast %broadcast_in_dim3A_69 : vector<256x1xf32> to vector<256x2048xf32>
    %eq3A_71 = arith.cmpf oeq, %select_n3A_66, %eq3A_70 : vector<256x2048xf32>
    %jit3A_72 = arith.constant 2048 : i32
    %broadcast_in_dim3A_73 = vector.broadcast %jit3A_72 : i32 to vector<256x2048xi32>
    %select_n3A_74 = arith.select %eq3A_71, %iota3A, %broadcast_in_dim3A_73 : vector<256x2048xi1>, vector<256x2048xi32>
    %reduce_min3A_75 = arith.constant dense<2147483647> : vector<256xi32>
    %reduce_min3A_76 = vector.multi_reduction <minsi>, %select_n3A_74, %reduce_min3A_75 [1] : vector<256x2048xi32> to vector<256xi32>
    %broadcast_in_dim3A_77 = vector.shape_cast %reduce_min3A_76 : vector<256xi32> to vector<256x1xi32>
    %swap3A_78 = arith.constant 0 : index
    %swap3A_79 = arith.constant 2 : index
    %swap3A_80 = vector.load %arg3[%swap3A_78, %swap3A_79] : memref<256x16xi32, #tpu.memory_space<vmem>>, vector<256x1xi32>
    tpu.vector_store %arg3[%swap3A_78, %swap3A_79], %broadcast_in_dim3A_77 {strides = array<i32>} : memref<256x16xi32, #tpu.memory_space<vmem>>, vector<256x1xi32>,
    %eq3A_81 = vector.broadcast %broadcast_in_dim3A_77 : vector<256x1xi32> to vector<256x2048xi32>
    %eq3A_82 = arith.cmpi eq, %iota3A, %eq3A_81 : vector<256x2048xi32>
    %jit3A_83 = arith.constant 0x7F800000 : f32
    %broadcast_in_dim3A_84 = vector.broadcast %jit3A_83 : f32 to vector<256x2048xf32>
    %select_n3A_85 = arith.select %eq3A_82, %broadcast_in_dim3A_84, %select_n3A_66 : vector<256x2048xi1>, vector<256x2048xf32>
    %reduce_min3A_86 = arith.constant dense<0x7F800000> : vector<256xf32>
    %reduce_min3A_87 = vector.multi_reduction <minimumf>, %select_n3A_85, %reduce_min3A_86 [1] : vector<256x2048xf32> to vector<256xf32>
    %broadcast_in_dim3A_88 = vector.shape_cast %reduce_min3A_87 : vector<256xf32> to vector<256x1xf32>
    %eq3A_89 = vector.broadcast %broadcast_in_dim3A_88 : vector<256x1xf32> to vector<256x2048xf32>
    %eq3A_90 = arith.cmpf oeq, %select_n3A_85, %eq3A_89 : vector<256x2048xf32>
    %jit3A_91 = arith.constant 2048 : i32
    %broadcast_in_dim3A_92 = vector.broadcast %jit3A_91 : i32 to vector<256x2048xi32>
    %select_n3A_93 = arith.select %eq3A_90, %iota3A, %broadcast_in_dim3A_92 : vector<256x2048xi1>, vector<256x2048xi32>
    %reduce_min3A_94 = arith.constant dense<2147483647> : vector<256xi32>
    %reduce_min3A_95 = vector.multi_reduction <minsi>, %select_n3A_93, %reduce_min3A_94 [1] : vector<256x2048xi32> to vector<256xi32>
    %broadcast_in_dim3A_96 = vector.shape_cast %reduce_min3A_95 : vector<256xi32> to vector<256x1xi32>
    %swap3A_97 = arith.constant 0 : index
    %swap3A_98 = arith.constant 3 : index
    %swap3A_99 = vector.load %arg3[%swap3A_97, %swap3A_98] : memref<256x16xi32, #tpu.memory_space<vmem>>, vector<256x1xi32>
    tpu.vector_store %arg3[%swap3A_97, %swap3A_98], %broadcast_in_dim3A_96 {strides = array<i32>} : memref<256x16xi32, #tpu.memory_space<vmem>>, vector<256x1xi32>,
    %eq3A_100 = vector.broadcast %broadcast_in_dim3A_96 : vector<256x1xi32> to vector<256x2048xi32>
    %eq3A_101 = arith.cmpi eq, %iota3A, %eq3A_100 : vector<256x2048xi32>
    %jit3A_102 = arith.constant 0x7F800000 : f32
    %broadcast_in_dim3A_103 = vector.broadcast %jit3A_102 : f32 to vector<256x2048xf32>
    %select_n3A_104 = arith.select %eq3A_101, %broadcast_in_dim3A_103, %select_n3A_85 : vector<256x2048xi1>, vector<256x2048xf32>
    %reduce_min3A_105 = arith.constant dense<0x7F800000> : vector<256xf32>
    %reduce_min3A_106 = vector.multi_reduction <minimumf>, %select_n3A_104, %reduce_min3A_105 [1] : vector<256x2048xf32> to vector<256xf32>
    %broadcast_in_dim3A_107 = vector.shape_cast %reduce_min3A_106 : vector<256xf32> to vector<256x1xf32>
    %eq3A_108 = vector.broadcast %broadcast_in_dim3A_107 : vector<256x1xf32> to vector<256x2048xf32>
    %eq3A_109 = arith.cmpf oeq, %select_n3A_104, %eq3A_108 : vector<256x2048xf32>
    %jit3A_110 = arith.constant 2048 : i32
    %broadcast_in_dim3A_111 = vector.broadcast %jit3A_110 : i32 to vector<256x2048xi32>
    %select_n3A_112 = arith.select %eq3A_109, %iota3A, %broadcast_in_dim3A_111 : vector<256x2048xi1>, vector<256x2048xi32>
    %reduce_min3A_113 = arith.constant dense<2147483647> : vector<256xi32>
    %reduce_min3A_114 = vector.multi_reduction <minsi>, %select_n3A_112, %reduce_min3A_113 [1] : vector<256x2048xi32> to vector<256xi32>
    %broadcast_in_dim3A_115 = vector.shape_cast %reduce_min3A_114 : vector<256xi32> to vector<256x1xi32>
    %swap3A_116 = arith.constant 0 : index
    %swap3A_117 = arith.constant 4 : index
    %swap3A_118 = vector.load %arg3[%swap3A_116, %swap3A_117] : memref<256x16xi32, #tpu.memory_space<vmem>>, vector<256x1xi32>
    tpu.vector_store %arg3[%swap3A_116, %swap3A_117], %broadcast_in_dim3A_115 {strides = array<i32>} : memref<256x16xi32, #tpu.memory_space<vmem>>, vector<256x1xi32>,
    %eq3A_119 = vector.broadcast %broadcast_in_dim3A_115 : vector<256x1xi32> to vector<256x2048xi32>
    %eq3A_120 = arith.cmpi eq, %iota3A, %eq3A_119 : vector<256x2048xi32>
    %jit3A_121 = arith.constant 0x7F800000 : f32
    %broadcast_in_dim3A_122 = vector.broadcast %jit3A_121 : f32 to vector<256x2048xf32>
    %select_n3A_123 = arith.select %eq3A_120, %broadcast_in_dim3A_122, %select_n3A_104 : vector<256x2048xi1>, vector<256x2048xf32>
    %reduce_min3A_124 = arith.constant dense<0x7F800000> : vector<256xf32>
    %reduce_min3A_125 = vector.multi_reduction <minimumf>, %select_n3A_123, %reduce_min3A_124 [1] : vector<256x2048xf32> to vector<256xf32>
    %broadcast_in_dim3A_126 = vector.shape_cast %reduce_min3A_125 : vector<256xf32> to vector<256x1xf32>
    %eq3A_127 = vector.broadcast %broadcast_in_dim3A_126 : vector<256x1xf32> to vector<256x2048xf32>
    %eq3A_128 = arith.cmpf oeq, %select_n3A_123, %eq3A_127 : vector<256x2048xf32>
    %jit3A_129 = arith.constant 2048 : i32
    %broadcast_in_dim3A_130 = vector.broadcast %jit3A_129 : i32 to vector<256x2048xi32>
    %select_n3A_131 = arith.select %eq3A_128, %iota3A, %broadcast_in_dim3A_130 : vector<256x2048xi1>, vector<256x2048xi32>
    %reduce_min3A_132 = arith.constant dense<2147483647> : vector<256xi32>
    %reduce_min3A_133 = vector.multi_reduction <minsi>, %select_n3A_131, %reduce_min3A_132 [1] : vector<256x2048xi32> to vector<256xi32>
    %broadcast_in_dim3A_134 = vector.shape_cast %reduce_min3A_133 : vector<256xi32> to vector<256x1xi32>
    %swap3A_135 = arith.constant 0 : index
    %swap3A_136 = arith.constant 5 : index
    %swap3A_137 = vector.load %arg3[%swap3A_135, %swap3A_136] : memref<256x16xi32, #tpu.memory_space<vmem>>, vector<256x1xi32>
    tpu.vector_store %arg3[%swap3A_135, %swap3A_136], %broadcast_in_dim3A_134 {strides = array<i32>} : memref<256x16xi32, #tpu.memory_space<vmem>>, vector<256x1xi32>,
    %eq3A_138 = vector.broadcast %broadcast_in_dim3A_134 : vector<256x1xi32> to vector<256x2048xi32>
    %eq3A_139 = arith.cmpi eq, %iota3A, %eq3A_138 : vector<256x2048xi32>
    %jit3A_140 = arith.constant 0x7F800000 : f32
    %broadcast_in_dim3A_141 = vector.broadcast %jit3A_140 : f32 to vector<256x2048xf32>
    %select_n3A_142 = arith.select %eq3A_139, %broadcast_in_dim3A_141, %select_n3A_123 : vector<256x2048xi1>, vector<256x2048xf32>
    %reduce_min3A_143 = arith.constant dense<0x7F800000> : vector<256xf32>
    %reduce_min3A_144 = vector.multi_reduction <minimumf>, %select_n3A_142, %reduce_min3A_143 [1] : vector<256x2048xf32> to vector<256xf32>
    %broadcast_in_dim3A_145 = vector.shape_cast %reduce_min3A_144 : vector<256xf32> to vector<256x1xf32>
    %eq3A_146 = vector.broadcast %broadcast_in_dim3A_145 : vector<256x1xf32> to vector<256x2048xf32>
    %eq3A_147 = arith.cmpf oeq, %select_n3A_142, %eq3A_146 : vector<256x2048xf32>
    %jit3A_148 = arith.constant 2048 : i32
    %broadcast_in_dim3A_149 = vector.broadcast %jit3A_148 : i32 to vector<256x2048xi32>
    %select_n3A_150 = arith.select %eq3A_147, %iota3A, %broadcast_in_dim3A_149 : vector<256x2048xi1>, vector<256x2048xi32>
    %reduce_min3A_151 = arith.constant dense<2147483647> : vector<256xi32>
    %reduce_min3A_152 = vector.multi_reduction <minsi>, %select_n3A_150, %reduce_min3A_151 [1] : vector<256x2048xi32> to vector<256xi32>
    %broadcast_in_dim3A_153 = vector.shape_cast %reduce_min3A_152 : vector<256xi32> to vector<256x1xi32>
    %swap3A_154 = arith.constant 0 : index
    %swap3A_155 = arith.constant 6 : index
    %swap3A_156 = vector.load %arg3[%swap3A_154, %swap3A_155] : memref<256x16xi32, #tpu.memory_space<vmem>>, vector<256x1xi32>
    tpu.vector_store %arg3[%swap3A_154, %swap3A_155], %broadcast_in_dim3A_153 {strides = array<i32>} : memref<256x16xi32, #tpu.memory_space<vmem>>, vector<256x1xi32>,
    %eq3A_157 = vector.broadcast %broadcast_in_dim3A_153 : vector<256x1xi32> to vector<256x2048xi32>
    %eq3A_158 = arith.cmpi eq, %iota3A, %eq3A_157 : vector<256x2048xi32>
    %jit3A_159 = arith.constant 0x7F800000 : f32
    %broadcast_in_dim3A_160 = vector.broadcast %jit3A_159 : f32 to vector<256x2048xf32>
    %select_n3A_161 = arith.select %eq3A_158, %broadcast_in_dim3A_160, %select_n3A_142 : vector<256x2048xi1>, vector<256x2048xf32>
    %reduce_min3A_162 = arith.constant dense<0x7F800000> : vector<256xf32>
    %reduce_min3A_163 = vector.multi_reduction <minimumf>, %select_n3A_161, %reduce_min3A_162 [1] : vector<256x2048xf32> to vector<256xf32>
    %broadcast_in_dim3A_164 = vector.shape_cast %reduce_min3A_163 : vector<256xf32> to vector<256x1xf32>
    %eq3A_165 = vector.broadcast %broadcast_in_dim3A_164 : vector<256x1xf32> to vector<256x2048xf32>
    %eq3A_166 = arith.cmpf oeq, %select_n3A_161, %eq3A_165 : vector<256x2048xf32>
    %jit3A_167 = arith.constant 2048 : i32
    %broadcast_in_dim3A_168 = vector.broadcast %jit3A_167 : i32 to vector<256x2048xi32>
    %select_n3A_169 = arith.select %eq3A_166, %iota3A, %broadcast_in_dim3A_168 : vector<256x2048xi1>, vector<256x2048xi32>
    %reduce_min3A_170 = arith.constant dense<2147483647> : vector<256xi32>
    %reduce_min3A_171 = vector.multi_reduction <minsi>, %select_n3A_169, %reduce_min3A_170 [1] : vector<256x2048xi32> to vector<256xi32>
    %broadcast_in_dim3A_172 = vector.shape_cast %reduce_min3A_171 : vector<256xi32> to vector<256x1xi32>
    %swap3A_173 = arith.constant 0 : index
    %swap3A_174 = arith.constant 7 : index
    %swap3A_175 = vector.load %arg3[%swap3A_173, %swap3A_174] : memref<256x16xi32, #tpu.memory_space<vmem>>, vector<256x1xi32>
    tpu.vector_store %arg3[%swap3A_173, %swap3A_174], %broadcast_in_dim3A_172 {strides = array<i32>} : memref<256x16xi32, #tpu.memory_space<vmem>>, vector<256x1xi32>,
    %eq3A_176 = vector.broadcast %broadcast_in_dim3A_172 : vector<256x1xi32> to vector<256x2048xi32>
    %eq3A_177 = arith.cmpi eq, %iota3A, %eq3A_176 : vector<256x2048xi32>
    %jit3A_178 = arith.constant 0x7F800000 : f32
    %broadcast_in_dim3A_179 = vector.broadcast %jit3A_178 : f32 to vector<256x2048xf32>
    %select_n3A_180 = arith.select %eq3A_177, %broadcast_in_dim3A_179, %select_n3A_161 : vector<256x2048xi1>, vector<256x2048xf32>
    %reduce_min3A_181 = arith.constant dense<0x7F800000> : vector<256xf32>
    %reduce_min3A_182 = vector.multi_reduction <minimumf>, %select_n3A_180, %reduce_min3A_181 [1] : vector<256x2048xf32> to vector<256xf32>
    %broadcast_in_dim3A_183 = vector.shape_cast %reduce_min3A_182 : vector<256xf32> to vector<256x1xf32>
    %eq3A_184 = vector.broadcast %broadcast_in_dim3A_183 : vector<256x1xf32> to vector<256x2048xf32>
    %eq3A_185 = arith.cmpf oeq, %select_n3A_180, %eq3A_184 : vector<256x2048xf32>
    %jit3A_186 = arith.constant 2048 : i32
    %broadcast_in_dim3A_187 = vector.broadcast %jit3A_186 : i32 to vector<256x2048xi32>
    %select_n3A_188 = arith.select %eq3A_185, %iota3A, %broadcast_in_dim3A_187 : vector<256x2048xi1>, vector<256x2048xi32>
    %reduce_min3A_189 = arith.constant dense<2147483647> : vector<256xi32>
    %reduce_min3A_190 = vector.multi_reduction <minsi>, %select_n3A_188, %reduce_min3A_189 [1] : vector<256x2048xi32> to vector<256xi32>
    %broadcast_in_dim3A_191 = vector.shape_cast %reduce_min3A_190 : vector<256xi32> to vector<256x1xi32>
    %swap3A_192 = arith.constant 0 : index
    %swap3A_193 = arith.constant 8 : index
    %swap3A_194 = vector.load %arg3[%swap3A_192, %swap3A_193] : memref<256x16xi32, #tpu.memory_space<vmem>>, vector<256x1xi32>
    tpu.vector_store %arg3[%swap3A_192, %swap3A_193], %broadcast_in_dim3A_191 {strides = array<i32>} : memref<256x16xi32, #tpu.memory_space<vmem>>, vector<256x1xi32>,
    return
  }
  func.func @transform_0(%arg0: i32) -> (i32, i32) {
    %c0_i32 = arith.constant 0 : i32
    %c0_i32_0 = arith.constant 0 : i32
    return %arg0, %c0_i32 : i32, i32
  }
  func.func @transform_1(%arg0: i32) -> (i32, i32) {
    %c0_i32 = arith.constant 0 : i32
    %c0_i32_0 = arith.constant 0 : i32
    %c0_i32_1 = arith.constant 0 : i32
    return %c0_i32, %c0_i32_0 : i32, i32
  }
  func.func @transform_2(%arg0: i32) -> (i32, i32) {
    %c0_i32 = arith.constant 0 : i32
    %c0_i32_0 = arith.constant 0 : i32
    return %arg0, %c0_i32 : i32, i32
  }
}

</mosaic_0001>

<sc_bundles>
// kernel: gather_offload_async_start.1
scs
__scs_entry_jumppad:
0x0: {  	(pc) =	sbr.rel $0x88, $3  }
0x1: {  	(tag) =	ssettag $0x0;
	lr =	simm.s32 $0x1  }
0x2: {  	[smem:$0x3F9F] =	sst lr;
	_ =	strace $0xD0000000  }
0x3: {  	_ = 	snop  }
0x4: {  	_ = 	snop  }
0x5: {  	_ = 	snop  }
0x6: {  	_ = 	snop  }
0x7: {  	_ = 	snop  }
__scs_overlays_trampoline_lowered:
0x8: {  	[smem:$0x3FAE] =	sst s0  }
0x9: {  	[smem:$0x3FAF] =	sst s1  }
0xa: {  	[smem:$0x3FB0] =	sst s2  }
0xb: {  	[smem:$0x3FB1] =	sst s3  }
0xc: {  	[smem:$0x3FB2] =	sst s4  }
0xd: {  	[smem:$0x3FB3] =	sst s5  }
0xe: {  	[smem:$0x3FB4] =	sst s6  }
0xf: {  	[smem:$0x3FB5] =	sst s7  }
0x10: {  	[smem:$0x3FB6] =	sst s8  }
0x11: {  	[smem:$0x3FB7] =	sst s9;
	s0 =	simm.s32 @!p0 $0x0  }
0x12: {  	s1 =	sld [smem:$0x3F9D];
	s0 =	simm.s32 @p0 $0x1  }
0x13: {  	[smem:$0x3FB8] =	sst s0;
	s0 =	simm.s32 @!p1 $0x0  }
0x14: {  	s2 =	sld [smem:$0x3F9C];
	s0 =	simm.s32 @p1 $0x1  }
0x15: {  	[smem:$0x3FB9] =	sst s0;
	s0 =	simm.s32 @!p2 $0x0  }
0x16: {  	s3 =	sld [smem:$0x3FDB];
	s0 =	simm.s32 @p2 $0x1  }
0x17: {  	s4 =	simm.s32 $0x1BF5;
	[smem:$0x3FBB] =	sst s0  }
0x18: {  	s0 =	sld [smem:$0x3F9E];
	_ =	swait.ge [sflag:s4], $0x0  }
0x19: {  	s7 =	sld [smem:$0x3F9F]  }
0x1a: {  	s8 =	sadd.s32 $0xFFFFE003, lr  }
0x1b: {  	s9 =	sadd.s32 $0xFFFFFEF7, lr;
	s5 =	simm.s32 $0xFFFFFFFF;
	p2 =	slt.u32 s8, $0xFFFFF086  }
0x1c: {  	p1 =	slt.u32 s9, $0xF7A;
	s5 =	simm.s32 @!p2 $0x0  }
0x1d: {  	s5 =	simm.s32 @p1 $0x1;
	p0 =	seq.s32 s7, s2  }
0x1e: {  	s7 =	smul.u32 @!p0 $0xF7A, s2;
	p2 =	seq.s32 @!p0 s5, $0x0  }
0x1f: {  	s9 =	smul.u32 $0xF7A, s1;
	s8 =	simm.s32 @!p0 $0x1BF5;
	p2 =	por !p2, p0  }
0x20: {  	[sflag:s8] =	ssyncset.s32 @!p0 $0xFFFFF086;
	s6 =	sadd.s32 @!p0 s3, s7;
	s7 =	simm.s32 @!p0 $0x108  }
0x21: {  	s3 =	sadd.s32 s3, s9;
	s6 =	sadd.s32 @!p0 $0x88, s6;
	s7 =	simm.s32 @p2 $0x1082  }
0x22: {  	[simem:s7], [sflag:s8] =	dma.local @!p0 [hbm:s6], $0xF7A  }
0x23: {  	s9 =	sor.u32 $0xD0000000, s2;
	s6 =	simm.s32 $0x108;
	_ =	swait.ge @!p0 [sflag:s8], $0x0  }
0x24: {  	s3 =	sadd.s32 $0x88, s3;
	s6 =	simm.s32 @!p1 $0x1082;
	[sflag:s4] =	ssyncset.s32 $0xFFFFF086  }
0x25: {  	[simem:s6], [sflag:s4] =	dma.local [hbm:s3], $0xF7A  }
0x26: {  	[smem:$0x3F9F] =	sst s1;
	(tag) =	ssettag s2;
	_ =	strace s9  }
0x27: {  	s1 =	sld [smem:$0x3FAF]  }
0x28: {  	s2 =	sld [smem:$0x3FB0]  }
0x29: {  	s4 =	sld [smem:$0x3FB2]  }
0x2a: {  	p0 =	seq.s32 s5, $0x0;
	s5 =	sld [smem:$0x3FB3]  }
0x2b: {  	s6 =	sld [smem:$0x3FB4]  }
0x2c: {  	s7 =	sld [smem:$0x3FB5]  }
0x2d: {  	s3 =	simm.s32 $0x108;
	s8 =	sld [smem:$0x3FB6]  }
0x2e: {  	s3 =	simm.s32 @!p0 $0x1082;
	s9 =	sld [smem:$0x3FB7]  }
0x2f: {  	lr =	sadd.s32 s0, s3;
	s0 =	sld [smem:$0x3FAE]  }
0x30: {  	s3 =	sld [smem:$0x3FB1]  }
0x31: {  	[smem:$0x3FBA] =	sst s10  }
0x32: {  	s10 =	sld [smem:$0x3FB8];
	_ =	sdelay $0x3  }
0x33: {  	p0 =	seq.s32 s10, $0x1;
	s10 =	sld [smem:$0x3FBA];
	_ =	sdelay $0x3  }
0x34: {  	[smem:$0x3FBA] =	sst s10  }
0x35: {  	s10 =	sld [smem:$0x3FB9];
	_ =	sdelay $0x3  }
0x36: {  	p1 =	seq.s32 s10, $0x1;
	s10 =	sld [smem:$0x3FBA];
	_ =	sdelay $0x3  }
0x37: {  	[smem:$0x3FBA] =	sst s10  }
0x38: {  	s10 =	sld [smem:$0x3FBB]  }
0x39: {  	_ = 	snop;
	(pc) =	sbr.ind lr, $3  }
0x3a: {  	_ = 	snop  }
0x3b: {  	_ = 	snop  }
0x3c: {  	p2 =	seq.s32 s10, $0x1;
	s10 =	sld [smem:$0x3FBA]  }
0x3d: {  	_ =	shalt  }
0x3e: {  	_ =	shalt  }
0x3f: {  	_ =	shalt  }
0x40: {  	_ =	shalt  }
0x41: {  	_ =	shalt  }
0x42: {  	_ =	shalt  }
0x43: {  	_ =	shalt  }
0x44: {  	_ =	shalt  }
0x45: {  	_ =	shalt  }
0x46: {  	_ =	shalt  }
0x47: {  	_ =	shalt  }
0x48: {  	_ =	shalt  }
0x49: {  	_ =	shalt  }
0x4a: {  	_ =	shalt  }
0x4b: {  	_ =	shalt  }
0x4c: {  	_ =	shalt  }
0x4d: {  	_ =	shalt  }
0x4e: {  	_ =	shalt  }
0x4f: {  	_ =	shalt  }
0x50: {  	_ =	shalt  }
0x51: {  	_ =	shalt  }
0x52: {  	_ =	shalt  }
0x53: {  	_ =	shalt  }
0x54: {  	_ =	shalt  }
0x55: {  	_ =	shalt  }
0x56: {  	_ =	shalt  }
0x57: {  	_ =	shalt  }
0x58: {  	_ =	shalt  }
0x59: {  	_ =	shalt  }
0x5a: {  	_ =	shalt  }
0x5b: {  	_ =	shalt  }
0x5c: {  	_ =	shalt  }
0x5d: {  	_ =	shalt  }
0x5e: {  	_ =	shalt  }
0x5f: {  	_ =	shalt  }
0x60: {  	_ =	shalt  }
0x61: {  	_ =	shalt  }
0x62: {  	_ =	shalt  }
0x63: {  	_ =	shalt  }
0x64: {  	_ =	shalt  }
0x65: {  	_ =	shalt  }
0x66: {  	_ =	shalt  }
0x67: {  	_ =	shalt  }
0x68: {  	_ =	shalt  }
0x69: {  	_ =	shalt  }
0x6a: {  	_ =	shalt  }
0x6b: {  	_ =	shalt  }
0x6c: {  	_ =	shalt  }
0x6d: {  	_ =	shalt  }
0x6e: {  	_ =	shalt  }
0x6f: {  	_ =	shalt  }
0x70: {  	_ =	shalt  }
0x71: {  	_ =	shalt  }
0x72: {  	_ =	shalt  }
0x73: {  	_ =	shalt  }
0x74: {  	_ =	shalt  }
0x75: {  	_ =	shalt  }
0x76: {  	_ =	shalt  }
0x77: {  	_ =	shalt  }
0x78: {  	_ =	shalt  }
0x79: {  	_ =	shalt  }
0x7a: {  	_ =	shalt  }
0x7b: {  	_ =	shalt  }
0x7c: {  	_ =	shalt  }
0x7d: {  	_ =	shalt  }
0x7e: {  	_ =	shalt  }
0x7f: {  	_ =	shalt  }
0x80: {  	_ =	shalt  }
0x81: {  	_ =	shalt  }
0x82: {  	_ =	shalt  }
0x83: {  	_ =	shalt  }
0x84: {  	_ =	shalt  }
0x85: {  	_ =	shalt  }
0x86: {  	_ =	shalt  }
0x87: {  	_ =	shalt  }
.Lfunc_end0:
.L_simem_size_0:
called_computation.2_lowered:
.L_overlay_start_0:
0x88: {  	s2 =	sld [smem:$0x3FD9]  }
0x89: {  	s3 =	sld [smem:$0x3FFE];
	_ =	sdelay $0x1  }
0x8a: {  	s1 =	srdreg.scid  }
0x8b: {  	s0 =	sand.u32 $0x1, s1  }
0x8c: {  	s16 =	sshll.u32 s0, $0xA;
	s2 =	sadd.s32 s3, s2  }
0x8d: {  	s2 =	sadd.s32 s2, s16  }
0x8e: {  	[smem:$0x3FC6] =	sst s2  }
0x8f: {  	_ = 	snop  }
0x90: {  	(tm) =	ssettm $0x1  }
0x91: {  	s17 =	sld [smem:$0x3FFB];
	_ =	sdelay $0x3  }
0x92: {  	_ =	strace s17  }
0x93: {  	s2 =	sld [smem:$0x3FFC];
	_ =	sdelay $0x3  }
0x94: {  	_ =	strace s2  }
0x95: {  	s2 =	sld [smem:$0x3FFD];
	_ =	sdelay $0x3  }
0x96: {  	_ =	strace s2  }
0x97: {  	_ =	strace $0x8FFFFFFF  }
0x98: {  	s18 =	sld [smem:$0x3FDB];
	_ =	sdelay $0x1  }
0x99: {  	s19 =	simm.s32 $_scs_section_size  }
0x9a: {  	s4 =	simm.s32 $_size__tile_overlayer_lowered;
	s5 =	simm.s32 $_tile_overlayer_lowered  }
0x9b: {  	s22 =	simm.s32 $0x1BFF;
	s21 =	sshll.u32 s5, $0x1;
	s2 =	sadd.s32 s19, s18  }
0x9c: {  	s6 =	simm.s32 $0x0;
	s20 =	sshll.u32 s4, $0x1;
	s4 =	sadd.s32 s21, s2  }
0x9d: {  	[timem:s6], [sflag:s22] =	dma.local [hbm:s4], s20  }
0x9e: {  	_ =	swait.ge [sflag:s22], s20  }
0x9f: {  	s3 =	ssub.s32 $0x0, s20;
	[sflag:s22] =	ssyncset.done $0x0  }
0xa0: {  	[sflag:s22] =	ssyncadd.s32 s3;
	_ =	sdelay $0x1  }
0xa1: {  	s23 =	simm.s32 $0x1B8B  }
0xa2: {  	_ =	swait.ge [sflag:s23], $0x1  }
0xa3: {  	[sflag:s23] =	ssyncset.done $0x0  }
0xa4: {  	s25 =	simm.s32 $0x1B8E;
	s24 =	sld [smem:$0x3FFE];
	[sflag:s23] =	ssyncadd.s32 $0xFFFFFFFF  }
0xa5: {  	s26 =	simm.s32 $execute0_lowered;
	[smem:$0x3FD2] =	sst s25  }
0xa6: {  	s4 =	sshll.u32 s26, $0x1;
	_ =	strace $0x80000049;
	[dreg:$0x1] =	wrdreg $0xFFFFFFFF  }
0xa7: {  	s28 =	simm.s32 $_size_execute0_lowered;
	s2 =	sadd.s32 s2, s4;
	[dreg:$0x0] =	wrdreg $0x0  }
0xa8: {  	s4 =	sshll.u32 s28, $0x1;
	[dreg:$0x2] =	wrdreg s2  }
0xa9: {  	[dreg:$0x3] =	wrdreg s4  }
0xaa: {  	[dreg:$0x4] =	wrdreg $0xC0  }
0xab: {  	_ =	task [dreg:s6], $0x5FFFF  }
0xac: {  	[dreg:$0x1] =	wrdreg $0xFFFFFFFF  }
0xad: {  	[dreg:$0x0] =	wrdreg $0x60  }
0xae: {  	[dreg:$0x2] =	wrdreg s24  }
0xaf: {  	[dreg:$0x3] =	wrdreg $0xA  }
0xb0: {  	_ =	task.clear_ibuf [dreg:s6], $0x4FFFF;
	_ =	strace $0x90000049  }
0xb1: {  	s29 =	simm.s32 $0xA;
	_ =	strace $0x8000004B  }
0xb2: {  	_ =	swait.ge [sflag:s29], $0x1  }
0xb3: {  	[sflag:s29] =	ssyncadd.s32 $0xFFFFFFFF  }
0xb4: {  	_ =	strace $0x9000004B  }
0xb5: {  	_ =	sfence  }
0xb6: {  	s30 =	sld [smem:$0x0];
	_ =	sdelay $0x2  }
0xb7: {  	s31 =	sshll.u32 s1, $0xD;
	s1 =	sshrl.u32 s1, $0x2  }
0xb8: {  	s3 =	sand.u32 $0x4000, s31;
	s1 =	sadd.s32 s1, s30  }
0xb9: {  	s0 =	sor.u32 s3, s0;
	s1 =	sshll.u32 s1, $0x11  }
0xba: {  	s0 =	sor.u32 s1, s0  }
0xbb: {  	s0 =	sadd.s32 $0x8F2B, s0  }
0xbc: {  	[sflag:s0] =	ssyncadd.remote.s32 $0x1  }
0xbd: {  	_ =	sfence.sel $0xFFFF  }
0xbe: {  	[dreg:$0x0] =	wrdreg $0xFFFFFFFF;
	(pc) =	sbr.abs _section_cstart, $3  }
0xbf: {  	[dreg:$0x1] =	wrdreg $0xFFFFFFFF  }
0xc0: {  	_ =	task.clear_ibuf [dreg:s6], $0x2FFFF;
	_ =	strace $0x9FFFFFFF  }
0xc1: {  	(tm) =	ssettm $0x7FFFFFFF  }
tec
execute0_lowered:
.L_overlay_start_1:
0x0: {  	(tag) =	ssettag $0x1  }
0x1: {  	s0 =	srdreg.scid;
	s5 =	rddreg [dreg:$0x0]  }
0x2: {  	s1 =	stileid.u32;
	s6 =	simm.s32 $0x1;
	s9 =	simm.s32 $0x1  }
0x3: {  	s10 =	simm.s32 $0x3;
	s13 =	simm.s32 $0x0;
	s2 =	sshll.u32 s0, $0xC  }
0x4: {  	s12 =	simm.s32 $0x0;
	s3 =	sshll.u32 s1, $0xD;
	s2 =	sand.u32 $0x1000, s2  }
0x5: {  	s0 =	rddreg [dreg:$0x1];
	_ =	strace $0x8000004A;
	s2 =	sor.u32 s3, s2  }
0x6: {  	s4 =	sadd.s32 $0x150000, s5;
	[sflag:s6] =	ssyncpa.u1 $0x0;
	s8 =	ssub.s32 $0x28000, s2  }
.Ltmp0:
0x7: {  	s3 =	sadd.s32 $0x171600, s5;
	s7 =	sand.u32 $0x1F000, s8;
	(pc) =	sbr.rel .LBB2_1-.Ltmp0, $4  }
0x8: {  	s5 =	sadd.s32 $0x155000, s5;
	s11 =	smov.u32 s2;
	p0 =	sne.s32 s7, $0x0  }
0x9: {  	s8 =	sshrl.u32 s8, $0x11;
	s7 =	simm.s32 $0x2;
	s9 =	simm.s32 @!p0 $0x0  }
0xa: {  	[sflag:s7] =	ssyncpa.u1 $0x0;
	p0 =	por $0x0, $0x0;
	s8 =	sadd.s32 s9, s8  }
0xb: {  	vm0 =	vmmov $0xffff;
	[sflag:s10] =	ssyncpa.u1 $0x0;
	s10 =	simm.s32 $0x0;
	s9 =	sadd.s32 $0x1, s8  }
.LBB2_4:
0xc: {  	v0 =	vshrl.u32 v0, $0xE;
	v3 =	vand.u32 $0x7, v3;
	v4 =	vand.u32 $0x1C00, v4  }
0xd: {  	v0 =	vand.u32 $0x7, v0;
	v3 =	vsel vm1, $0xFFFFFFFF, v3;
	v2 =	vadd.s32 v4, v2  }
0xe: {  	v0 =	vsel vm1, $0xFFFFFFFF, v0;
	v2 =	vsel vm1, $0xFF5FE800, v2;
	v62 =	vand.u32 $0xFFFFFC00, v3  }
0xf: {  	v2 =	vadd.s32 v62, v2;
	v63 =	vand.u32 $0xFFFFFC00, v0  }
0x10: {  	v3 =	vshll.u32 v3, $0x7;
	v0 =	vand.u32 $0x7F, v0;
	v2 =	vadd.s32 v63, v2  }
0x11: {  	v3 =	vand.u32 $0x380, v3;
	v0 =	vor.u32 v0, v2  }
0x12: {  	v0 =	vor.u32 v3, v0;
	_ =	sdelay $0x1  }
0x13: {  	(ifvalue) =	ssetifvalue $0x7FFFFFFF;
	s14 =	sadd.s32 $0x10, s14  }
0x14: {  	[tilespmem:s14], [sflag:$0x1] =	stream.indirect_vreg.gather [hbm4b:s3+s10], $0x1, v1, vm0, $0x4038;
	[tilespmem:$0x4000] =	vst v63  }
0x15: {  	(ifvalue) =	ssetifvalue $0x7FFFFFFF;
	s14 =	sadd.s32 $0x10, s14  }
0x16: {  	[tilespmem:s14], [sflag:$0x1] =	stream.indirect_vreg.gather [hbm4b:s3+s10], $0x1, v0, vm0, $0x4038;
	[tilespmem:$0x4000] =	vst v63  }
0x17: {  	_ =	swait.ge [sflag:s6], $0x1000  }
0x18: {  	s30 =	sshrl.u32 s13, $0x3;
	[sflag:s6] =	ssyncset.done $0x0  }
0x19: {  	s31 =	sand.u32 $0x7, s13;
	s14 =	sadd.s32 s5, s30;
	[sflag:s6] =	ssyncadd.s32 $0xFFFFF000  }
0x1a: {  	[hbm4b:s14+s31] =	stream.linear.scatter [tilespmem:s15], [sflag:$0x3], $0x1000, $0x38;
	[tilespmem:$0x4000] =	vst v63  }
.LBB2_5:
0x1b: {  	s15 =	sadd.s32 $0x20000, s11  }
0x1c: {  	p2 =	sgt.s32 s15, $0x27FFF  }
0x1d: {  	s15 =	smov.u32 @p2 s2;
	p2 =	sne.s32 s12, s9  }
.Ltmp1:
0x1e: {  	p1 =	slt.u32 s12, $0x2;
	(pc) =	sbr.rel @!p2 .LBB2_6-.Ltmp1, $4  }
0x1f: {  	s14 =	simm.s32 @!p1 $0x3  }
0x20: {  	s16 =	sadd.s32 $0x1, s12;
	_ =	swait.ge @!p1 [sflag:s14], $0x1000  }
0x21: {  	s13 =	smov.u32 s11;
	p0 =	por !p0, !p0;
	[sflag:s14] =	ssyncset.done @!p1 $0x0  }
0x22: {  	s12 =	smov.u32 s16;
	s11 =	smov.u32 s15;
	[sflag:s14] =	ssyncadd.s32 @!p1 $0xFFFFF000  }
.LBB2_1:
0x23: {  	p1 =	sge.u32 s12, s8  }
0x24: {  	s14 =	sxor.u32 @!p1 $0xFFFFFFFF, s12  }
0x25: {  	s31 =	sadd.s32 $0xFFFFFFFF, s12;
	s15 =	sshrl.u32 @!p1 s11, $0x3;
	s14 =	sshll.u32 @!p1 s14, $0xC  }
0x26: {  	s16 =	sand.u32 @!p1 $0x7, s11;
	s15 =	sadd.s32 @!p1 s4, s15;
	s14 =	sand.u32 @!p1 $0x1000, s14  }
0x27: {  	[tilespmem:s14], [sflag:$0x2] =	stream.linear.gather @!p1 [hbm4b:s15+s16], $0x1000, $0x38;
	[tilespmem:$0x4000] =	vst v63  }
0x28: {  	p1 =	sge.u32 s31, s8  }
.Ltmp2:
0x29: {  	_ = 	snop;
	(pc) =	sbr.rel @p1 .LBB2_5-.Ltmp2, $1  }
0x2a: {  	_ =	sdelay $0x3  }
0x2b: {  	s14 =	simm.s32 $0x1  }
0x2c: {  	_ =	swait.ge [sflag:s7], $0x1000;
	s14 =	simm.s32 @!p0 $0x0  }
0x2d: {  	[sflag:s7] =	ssyncset.done $0x0;
	s14 =	sshll.u32 s14, $0xC  }
0x2e: {  	[sflag:s7] =	ssyncadd.s32 $0xFFFFF000;
	(ifvalue) =	ssetifvalue $0x7FFFFFFF;
	v0 =	vld.msk [tilespmem:s14+$0x0 ss:$0x1], $0xffff;
	_ =	sdelay $0x4  }
0x2f: {  	s15 =	sadd.s32 $0x10, s14;
	vm1 =	veq.s32 v0, $0x80000000;
	v1 =	vand.u32 $0x7FF, v0;
	v2 =	vshrl.u32 v0, $0x11  }
0x30: {  	v4 =	vld.msk [tilespmem:s15+$0x0 ss:$0x1], $0xffff;
	v3 =	vshrl.u32 v0, $0x1;
	v0 =	vshrl.u32 v0, $0xE;
	v1 =	vmul.u32 $0x1400, v1  }
0x31: {  	v2 =	vand.u32 $0x7, v2;
	v3 =	vand.u32 $0x1C00, v3;
	v0 =	vand.u32 $0x7, v0  }
0x32: {  	v2 =	vsel vm1, $0xFFFFFFFF, v2;
	v0 =	vsel vm1, $0xFFFFFFFF, v0;
	v1 =	vadd.s32 v3, v1  }
0x33: {  	v3 =	vand.u32 $0xFFFFFC00, v2;
	v2 =	vshll.u32 v2, $0x7;
	v1 =	vsel vm1, $0xFF5FE800, v1  }
0x34: {  	v2 =	vand.u32 $0x380, v2;
	v1 =	vadd.s32 v3, v1;
	v3 =	vand.u32 $0xFFFFFC00, v0  }
0x35: {  	vm1 =	veq.s32 v4, $0x80000000;
	v0 =	vand.u32 $0x7F, v0;
	v1 =	vadd.s32 v3, v1  }
0x36: {  	v3 =	vshrl.u32 v4, $0x1;
	v0 =	vor.u32 v0, v1;
	v1 =	vand.u32 $0x7FF, v4  }
0x37: {  	v2 =	vor.u32 v2, v0;
	v0 =	vshrl.u32 v4, $0x11;
	v1 =	vmul.u32 $0x1400, v1  }
0x38: {  	s17 =	sadd.s32 $0x10, s15;
	v3 =	vand.u32 $0x1C00, v3;
	v4 =	vshrl.u32 v4, $0xE;
	v5 =	vand.u32 $0x7, v0  }
0x39: {  	v0 =	vld.msk [tilespmem:s17+$0x0 ss:$0x1], $0xffff;
	v4 =	vand.u32 $0x7, v4;
	v5 =	vsel vm1, $0xFFFFFFFF, v5;
	v1 =	vadd.s32 v3, v1  }
0x3a: {  	v3 =	vsel vm1, $0xFFFFFFFF, v4;
	v1 =	vsel vm1, $0xFF5FE800, v1;
	v4 =	vand.u32 $0xFFFFFC00, v5  }
0x3b: {  	v1 =	vadd.s32 v4, v1;
	v4 =	vand.u32 $0xFFFFFC00, v3  }
0x3c: {  	s31 =	sshll.u32 s12, $0xC;
	s14 =	sor.u32 $0x2000, s14;
	(ifvalue) =	ssetifvalue $0x7FFFFFFF;
	v3 =	vand.u32 $0x7F, v3;
	v1 =	vadd.s32 v4, v1;
	v4 =	vshll.u32 v5, $0x7  }
0x3d: {  	[tilespmem:s14], [sflag:$0x1] =	stream.indirect_vreg.gather [hbm4b:s3+s10], $0x1, v2, vm0, $0x4038;
	v2 =	vand.u32 $0x380, v4;
	v1 =	vor.u32 v3, v1;
	[tilespmem:$0x4000] =	vst v63  }
0x3e: {  	s15 =	sand.u32 $0x1000, s31;
	vm1 =	veq.s32 v0, $0x80000000;
	v4 =	vand.u32 $0x7FF, v0;
	v1 =	vor.u32 v2, v1  }
0x3f: {  	s16 =	simm.s32 $0x20;
	s15 =	sor.u32 $0x2000, s15;
	s17 =	sadd.s32 $0x10, s17;
	v3 =	vshrl.u32 v0, $0x11;
	v2 =	vmul.u32 $0x1400, v4;
	v4 =	vshrl.u32 v0, $0x1  }
.LBB2_3:
0x40: {  	s16 =	sadd.s32 $0x10, s16;
	v5 =	vshrl.u32 v0, $0xE;
	v0 =	vld.msk [tilespmem:s17+$0x0 ss:$0x1], $0xffff;
	v3 =	vand.u32 $0x7, v3;
	v4 =	vand.u32 $0x1C00, v4  }
0x41: {  	p1 =	slt.u32 s16, $0xFF0;
	v5 =	vand.u32 $0x7, v5;
	v3 =	vsel vm1, $0xFFFFFFFF, v3;
	v2 =	vadd.s32 v4, v2  }
0x42: {  	s14 =	sadd.s32 $0x10, s14;
	v4 =	vsel vm1, $0xFFFFFFFF, v5;
	v2 =	vsel vm1, $0xFF5FE800, v2;
	v5 =	vand.u32 $0xFFFFFC00, v3;
	(ifvalue) =	ssetifvalue $0x7FFFFFFF  }
0x43: {  	[tilespmem:s14], [sflag:$0x1] =	stream.indirect_vreg.gather [hbm4b:s3+s10], $0x1, v1, vm0, $0x4038;
	[tilespmem:$0x4000] =	vst v63  }
.Ltmp3:
0x44: {  	v2 =	vadd.s32 v5, v2;
	v5 =	vand.u32 $0xFFFFFC00, v4;
	(pc) =	sbr.rel @p1 .LBB2_3-.Ltmp3, $4  }
0x45: {  	v3 =	vshll.u32 v3, $0x7;
	v1 =	vand.u32 $0x7F, v4;
	v2 =	vadd.s32 v5, v2  }
0x46: {  	v3 =	vand.u32 $0x380, v3;
	v1 =	vor.u32 v1, v2  }
0x47: {  	vm1 =	veq.s32 v0, $0x80000000;
	v2 =	vand.u32 $0x7FF, v0;
	v1 =	vor.u32 v3, v1  }
0x48: {  	s17 =	sadd.s32 $0x10, s17;
	v4 =	vshrl.u32 v0, $0x1;
	v3 =	vshrl.u32 v0, $0x11;
	v2 =	vmul.u32 $0x1400, v2  }
.Ltmp4:
0x49: {  	_ = 	snop;
	(pc) =	sbr.rel .LBB2_4-.Ltmp4, $1  }
0x4a: {  	_ =	sdelay $0x3  }
.LBB2_6:
0x4b: {  	_ =	sfence.sel $0x180000  }
0x4c: {  	s2 =	simm.s32 $0x2;
	[bflag:$0x0] =	sbarrier.arrive $0xFFFF  }
0x4d: {  	s30 =	simm.s32 $0x3;
	[sflag:s2] =	ssyncpa.u1 $0x1  }
0x4e: {  	s31 =	simm.s32 $0x1;
	[sflag:s30] =	ssyncpa.u1 $0x1  }
0x4f: {  	[sflag:s31] =	ssyncpa.u1 $0x1  }
0x50: {  	p0 =	sne.s32 s1, $0x0;
	_ =	strace $0x9000004A  }
0x51: {  	s0 =	sadd.s32 @!p0 $0x100000, s0;
	[bflag:$0x2] =	sbarrier.arrive $0xFFFF  }
0x52: {  	[sflag:s0] =	ssyncadd.tile.s32 @!p0 $0x1;
	_ =	shalt  }
.Lfunc_end2:
_tile_overlayer_lowered:
.L_overlay_start_2:
0x53: {  	(tag) =	ssettag $0x2  }
0x54: {  	s0 =	rddreg [dreg:$0x0];
	s2 =	stileid.u32  }
0x55: {  	s1 =	rddreg [dreg:$0x1];
	p0 =	sne.s32 s2, $0x0  }
0x56: {  	s3 =	rddreg [dreg:$0x2];
	[bflag:$0x3] =	sbarrier.arrive $0xFFFF;
	s2 =	simm.s32 @!p0 $0x1C01  }
0x57: {  	[timem:s3], [sflag:s2] =	dma.local @!p0 [hbm:s0], s1  }
0x58: {  	s0 =	simm.s32 @!p0 $0x1  }
0x59: {  	_ =	swait.ge @!p0 [sflag:s0], s1  }
0x5a: {  	s1 =	ssub.s32 @!p0 $0x0, s1;
	[sflag:s0] =	ssyncset.done @!p0 $0x0  }
0x5b: {  	[sflag:s0] =	ssyncadd.s32 @!p0 s1  }
0x5c: {  	[bflag:$0x3] =	sbarrier.arrive $0xFFFF  }
0x5d: {  	_ =	shalt  }

// kernel: gather_offload_async_start.2
scs
__scs_entry_jumppad:
0x0: {  	(pc) =	sbr.rel $0x88, $3  }
0x1: {  	(tag) =	ssettag $0x0;
	lr =	simm.s32 $0x1  }
0x2: {  	[smem:$0x3F9F] =	sst lr;
	_ =	strace $0xD0000000  }
0x3: {  	_ = 	snop  }
0x4: {  	_ = 	snop  }
0x5: {  	_ = 	snop  }
0x6: {  	_ = 	snop  }
0x7: {  	_ = 	snop  }
__scs_overlays_trampoline_lowered:
0x8: {  	[smem:$0x3FAE] =	sst s0  }
0x9: {  	[smem:$0x3FAF] =	sst s1  }
0xa: {  	[smem:$0x3FB0] =	sst s2  }
0xb: {  	[smem:$0x3FB1] =	sst s3  }
0xc: {  	[smem:$0x3FB2] =	sst s4  }
0xd: {  	[smem:$0x3FB3] =	sst s5  }
0xe: {  	[smem:$0x3FB4] =	sst s6  }
0xf: {  	[smem:$0x3FB5] =	sst s7  }
0x10: {  	[smem:$0x3FB6] =	sst s8  }
0x11: {  	[smem:$0x3FB7] =	sst s9;
	s0 =	simm.s32 @!p0 $0x0  }
0x12: {  	s1 =	sld [smem:$0x3F9D];
	s0 =	simm.s32 @p0 $0x1  }
0x13: {  	[smem:$0x3FB8] =	sst s0;
	s0 =	simm.s32 @!p1 $0x0  }
0x14: {  	s2 =	sld [smem:$0x3F9C];
	s0 =	simm.s32 @p1 $0x1  }
0x15: {  	[smem:$0x3FB9] =	sst s0;
	s0 =	simm.s32 @!p2 $0x0  }
0x16: {  	s3 =	sld [smem:$0x3FDB];
	s0 =	simm.s32 @p2 $0x1  }
0x17: {  	s4 =	simm.s32 $0x1BF5;
	[smem:$0x3FBB] =	sst s0  }
0x18: {  	s0 =	sld [smem:$0x3F9E];
	_ =	swait.ge [sflag:s4], $0x0  }
0x19: {  	s7 =	sld [smem:$0x3F9F]  }
0x1a: {  	s8 =	sadd.s32 $0xFFFFE003, lr  }
0x1b: {  	s9 =	sadd.s32 $0xFFFFFEF7, lr;
	s5 =	simm.s32 $0xFFFFFFFF;
	p2 =	slt.u32 s8, $0xFFFFF086  }
0x1c: {  	p1 =	slt.u32 s9, $0xF7A;
	s5 =	simm.s32 @!p2 $0x0  }
0x1d: {  	s5 =	simm.s32 @p1 $0x1;
	p0 =	seq.s32 s7, s2  }
0x1e: {  	s7 =	smul.u32 @!p0 $0xF7A, s2;
	p2 =	seq.s32 @!p0 s5, $0x0  }
0x1f: {  	s9 =	smul.u32 $0xF7A, s1;
	s8 =	simm.s32 @!p0 $0x1BF5;
	p2 =	por !p2, p0  }
0x20: {  	[sflag:s8] =	ssyncset.s32 @!p0 $0xFFFFF086;
	s6 =	sadd.s32 @!p0 s3, s7;
	s7 =	simm.s32 @!p0 $0x108  }
0x21: {  	s3 =	sadd.s32 s3, s9;
	s6 =	sadd.s32 @!p0 $0x88, s6;
	s7 =	simm.s32 @p2 $0x1082  }
0x22: {  	[simem:s7], [sflag:s8] =	dma.local @!p0 [hbm:s6], $0xF7A  }
0x23: {  	s9 =	sor.u32 $0xD0000000, s2;
	s6 =	simm.s32 $0x108;
	_ =	swait.ge @!p0 [sflag:s8], $0x0  }
0x24: {  	s3 =	sadd.s32 $0x88, s3;
	s6 =	simm.s32 @!p1 $0x1082;
	[sflag:s4] =	ssyncset.s32 $0xFFFFF086  }
0x25: {  	[simem:s6], [sflag:s4] =	dma.local [hbm:s3], $0xF7A  }
0x26: {  	[smem:$0x3F9F] =	sst s1;
	(tag) =	ssettag s2;
	_ =	strace s9  }
0x27: {  	s1 =	sld [smem:$0x3FAF]  }
0x28: {  	s2 =	sld [smem:$0x3FB0]  }
0x29: {  	s4 =	sld [smem:$0x3FB2]  }
0x2a: {  	p0 =	seq.s32 s5, $0x0;
	s5 =	sld [smem:$0x3FB3]  }
0x2b: {  	s6 =	sld [smem:$0x3FB4]  }
0x2c: {  	s7 =	sld [smem:$0x3FB5]  }
0x2d: {  	s3 =	simm.s32 $0x108;
	s8 =	sld [smem:$0x3FB6]  }
0x2e: {  	s3 =	simm.s32 @!p0 $0x1082;
	s9 =	sld [smem:$0x3FB7]  }
0x2f: {  	lr =	sadd.s32 s0, s3;
	s0 =	sld [smem:$0x3FAE]  }
0x30: {  	s3 =	sld [smem:$0x3FB1]  }
0x31: {  	[smem:$0x3FBA] =	sst s10  }
0x32: {  	s10 =	sld [smem:$0x3FB8];
	_ =	sdelay $0x3  }
0x33: {  	p0 =	seq.s32 s10, $0x1;
	s10 =	sld [smem:$0x3FBA];
	_ =	sdelay $0x3  }
0x34: {  	[smem:$0x3FBA] =	sst s10  }
0x35: {  	s10 =	sld [smem:$0x3FB9];
	_ =	sdelay $0x3  }
0x36: {  	p1 =	seq.s32 s10, $0x1;
	s10 =	sld [smem:$0x3FBA];
	_ =	sdelay $0x3  }
0x37: {  	[smem:$0x3FBA] =	sst s10  }
0x38: {  	s10 =	sld [smem:$0x3FBB]  }
0x39: {  	_ = 	snop;
	(pc) =	sbr.ind lr, $3  }
0x3a: {  	_ = 	snop  }
0x3b: {  	_ = 	snop  }
0x3c: {  	p2 =	seq.s32 s10, $0x1;
	s10 =	sld [smem:$0x3FBA]  }
0x3d: {  	_ =	shalt  }
0x3e: {  	_ =	shalt  }
0x3f: {  	_ =	shalt  }
0x40: {  	_ =	shalt  }
0x41: {  	_ =	shalt  }
0x42: {  	_ =	shalt  }
0x43: {  	_ =	shalt  }
0x44: {  	_ =	shalt  }
0x45: {  	_ =	shalt  }
0x46: {  	_ =	shalt  }
0x47: {  	_ =	shalt  }
0x48: {  	_ =	shalt  }
0x49: {  	_ =	shalt  }
0x4a: {  	_ =	shalt  }
0x4b: {  	_ =	shalt  }
0x4c: {  	_ =	shalt  }
0x4d: {  	_ =	shalt  }
0x4e: {  	_ =	shalt  }
0x4f: {  	_ =	shalt  }
0x50: {  	_ =	shalt  }
0x51: {  	_ =	shalt  }
0x52: {  	_ =	shalt  }
0x53: {  	_ =	shalt  }
0x54: {  	_ =	shalt  }
0x55: {  	_ =	shalt  }
0x56: {  	_ =	shalt  }
0x57: {  	_ =	shalt  }
0x58: {  	_ =	shalt  }
0x59: {  	_ =	shalt  }
0x5a: {  	_ =	shalt  }
0x5b: {  	_ =	shalt  }
0x5c: {  	_ =	shalt  }
0x5d: {  	_ =	shalt  }
0x5e: {  	_ =	shalt  }
0x5f: {  	_ =	shalt  }
0x60: {  	_ =	shalt  }
0x61: {  	_ =	shalt  }
0x62: {  	_ =	shalt  }
0x63: {  	_ =	shalt  }
0x64: {  	_ =	shalt  }
0x65: {  	_ =	shalt  }
0x66: {  	_ =	shalt  }
0x67: {  	_ =	shalt  }
0x68: {  	_ =	shalt  }
0x69: {  	_ =	shalt  }
0x6a: {  	_ =	shalt  }
0x6b: {  	_ =	shalt  }
0x6c: {  	_ =	shalt  }
0x6d: {  	_ =	shalt  }
0x6e: {  	_ =	shalt  }
0x6f: {  	_ =	shalt  }
0x70: {  	_ =	shalt  }
0x71: {  	_ =	shalt  }
0x72: {  	_ =	shalt  }
0x73: {  	_ =	shalt  }
0x74: {  	_ =	shalt  }
0x75: {  	_ =	shalt  }
0x76: {  	_ =	shalt  }
0x77: {  	_ =	shalt  }
0x78: {  	_ =	shalt  }
0x79: {  	_ =	shalt  }
0x7a: {  	_ =	shalt  }
0x7b: {  	_ =	shalt  }
0x7c: {  	_ =	shalt  }
0x7d: {  	_ =	shalt  }
0x7e: {  	_ =	shalt  }
0x7f: {  	_ =	shalt  }
0x80: {  	_ =	shalt  }
0x81: {  	_ =	shalt  }
0x82: {  	_ =	shalt  }
0x83: {  	_ =	shalt  }
0x84: {  	_ =	shalt  }
0x85: {  	_ =	shalt  }
0x86: {  	_ =	shalt  }
0x87: {  	_ =	shalt  }
.Lfunc_end0:
.L_simem_size_0:
called_computation.3_lowered:
.L_overlay_start_0:
0x88: {  	s2 =	sld [smem:$0x3FD9]  }
0x89: {  	s3 =	sld [smem:$0x3FFE];
	_ =	sdelay $0x1  }
0x8a: {  	s1 =	srdreg.scid  }
0x8b: {  	s0 =	sand.u32 $0x1, s1  }
0x8c: {  	s16 =	sshll.u32 s0, $0xA;
	s2 =	sadd.s32 s3, s2  }
0x8d: {  	s2 =	sadd.s32 s2, s16  }
0x8e: {  	[smem:$0x3FC6] =	sst s2  }
0x8f: {  	_ = 	snop  }
0x90: {  	(tm) =	ssettm $0x1  }
0x91: {  	s17 =	sld [smem:$0x3FFB];
	_ =	sdelay $0x3  }
0x92: {  	_ =	strace s17  }
0x93: {  	s2 =	sld [smem:$0x3FFC];
	_ =	sdelay $0x3  }
0x94: {  	_ =	strace s2  }
0x95: {  	s2 =	sld [smem:$0x3FFD];
	_ =	sdelay $0x3  }
0x96: {  	_ =	strace s2  }
0x97: {  	_ =	strace $0x8FFFFFFF  }
0x98: {  	s18 =	sld [smem:$0x3FDB];
	_ =	sdelay $0x1  }
0x99: {  	s19 =	simm.s32 $_scs_section_size  }
0x9a: {  	s4 =	simm.s32 $_size__tile_overlayer_lowered;
	s5 =	simm.s32 $_tile_overlayer_lowered  }
0x9b: {  	s22 =	simm.s32 $0x1BFF;
	s21 =	sshll.u32 s5, $0x1;
	s2 =	sadd.s32 s19, s18  }
0x9c: {  	s6 =	simm.s32 $0x0;
	s20 =	sshll.u32 s4, $0x1;
	s4 =	sadd.s32 s21, s2  }
0x9d: {  	[timem:s6], [sflag:s22] =	dma.local [hbm:s4], s20  }
0x9e: {  	_ =	swait.ge [sflag:s22], s20  }
0x9f: {  	s3 =	ssub.s32 $0x0, s20;
	[sflag:s22] =	ssyncset.done $0x0  }
0xa0: {  	[sflag:s22] =	ssyncadd.s32 s3;
	_ =	sdelay $0x1  }
0xa1: {  	s23 =	simm.s32 $0x1B8B  }
0xa2: {  	_ =	swait.ge [sflag:s23], $0x1  }
0xa3: {  	[sflag:s23] =	ssyncset.done $0x0  }
0xa4: {  	s25 =	simm.s32 $0x1B8E;
	s24 =	sld [smem:$0x3FFE];
	[sflag:s23] =	ssyncadd.s32 $0xFFFFFFFF  }
0xa5: {  	s26 =	simm.s32 $execute0_lowered;
	[smem:$0x3FD2] =	sst s25  }
0xa6: {  	s4 =	sshll.u32 s26, $0x1;
	_ =	strace $0x8000004F;
	[dreg:$0x1] =	wrdreg $0xFFFFFFFF  }
0xa7: {  	s28 =	simm.s32 $_size_execute0_lowered;
	s2 =	sadd.s32 s2, s4;
	[dreg:$0x0] =	wrdreg $0x0  }
0xa8: {  	s4 =	sshll.u32 s28, $0x1;
	[dreg:$0x2] =	wrdreg s2  }
0xa9: {  	[dreg:$0x3] =	wrdreg s4  }
0xaa: {  	[dreg:$0x4] =	wrdreg $0xC0  }
0xab: {  	_ =	task [dreg:s6], $0x5FFFF  }
0xac: {  	[dreg:$0x1] =	wrdreg $0xFFFFFFFF  }
0xad: {  	[dreg:$0x0] =	wrdreg $0x60  }
0xae: {  	[dreg:$0x2] =	wrdreg s24  }
0xaf: {  	[dreg:$0x3] =	wrdreg $0x9  }
0xb0: {  	_ =	task.clear_ibuf [dreg:s6], $0x4FFFF;
	_ =	strace $0x9000004F  }
0xb1: {  	s29 =	simm.s32 $0x9;
	_ =	strace $0x80000051  }
0xb2: {  	_ =	swait.ge [sflag:s29], $0x1  }
0xb3: {  	[sflag:s29] =	ssyncadd.s32 $0xFFFFFFFF  }
0xb4: {  	_ =	strace $0x90000051  }
0xb5: {  	_ =	sfence  }
0xb6: {  	s30 =	sld [smem:$0x0];
	_ =	sdelay $0x2  }
0xb7: {  	s31 =	sshll.u32 s1, $0xD;
	s1 =	sshrl.u32 s1, $0x2  }
0xb8: {  	s3 =	sand.u32 $0x4000, s31;
	s1 =	sadd.s32 s1, s30  }
0xb9: {  	s0 =	sor.u32 s3, s0;
	s1 =	sshll.u32 s1, $0x11  }
0xba: {  	s0 =	sor.u32 s1, s0  }
0xbb: {  	s0 =	sadd.s32 $0x8F2B, s0  }
0xbc: {  	[sflag:s0] =	ssyncadd.remote.s32 $0x1  }
0xbd: {  	_ =	sfence.sel $0xFFFF  }
0xbe: {  	[dreg:$0x0] =	wrdreg $0xFFFFFFFF;
	(pc) =	sbr.abs _section_cstart, $3  }
0xbf: {  	[dreg:$0x1] =	wrdreg $0xFFFFFFFF  }
0xc0: {  	_ =	task.clear_ibuf [dreg:s6], $0x2FFFF;
	_ =	strace $0x9FFFFFFF  }
0xc1: {  	(tm) =	ssettm $0x7FFFFFFF  }
tec
execute0_lowered:
.L_overlay_start_1:
0x0: {  	(tag) =	ssettag $0x1  }
0x1: {  	s8 =	rddreg [dreg:$0x0];
	s1 =	stileid.u32  }
0x2: {  	s2 =	srdreg.scid;
	s0 =	rddreg [dreg:$0x1]  }
0x3: {  	_ =	strace $0x80000050;
	s5 =	simm.s32 $0x2;
	s9 =	simm.s32 $0x1  }
0x4: {  	s10 =	simm.s32 $0x3;
	s3 =	sand.u32 $0x1, s2;
	s4 =	sshll.u32 s1, $0x1  }
0x5: {  	s12 =	simm.s32 $0x0;
	s2 =	simm.s32 $0x1;
	s6 =	sor.u32 s4, s3  }
0x6: {  	s11 =	simm.s32 $0x0;
	[sflag:s2] =	ssyncpa.u1 $0x0;
	s4 =	smul.u32 $0xA00, s6  }
0x7: {  	p0 =	seq.s32 s6, $0x0;
	s6 =	simm.s32 $0x14000;
	[sflag:s5] =	ssyncpa.u1 $0x0  }
.Ltmp0:
0x8: {  	s6 =	simm.s32 @!p0 $0x0;
	s7 =	ssub.s32 $0x14000, s4;
	(pc) =	sbr.rel .LBB2_1-.Ltmp0, $4  }
0x9: {  	s9 =	simm.s32 @!p0 $0x0;
	p0 =	sne.s32 s7, s6;
	s7 =	simm.s32 $0x1  }
0xa: {  	s3 =	sadd.s32 $0x2B1600, s8;
	[sflag:s10] =	ssyncpa.u1 $0x0;
	s7 =	simm.s32 @!p0 $0x0  }
0xb: {  	s10 =	simm.s32 $0x0;
	s31 =	sshrl.u32 s4, $0x3;
	s7 =	sadd.s32 s9, s7  }
0xc: {  	vm0 =	vmmov $0xffff;
	s6 =	sadd.s32 $0x10000, s8;
	s8 =	sadd.s32 s8, s31;
	s9 =	sadd.s32 $0x1, s7  }
.LBB2_4:
0xd: {  	_ =	sdelay $0x3  }
0xe: {  	[tilespmem:s21], [sflag:$0x1] =	stream.indirect_vreg.gather [hbm4b:s3+s10], $0x1, v1, vm0, $0x4038;
	[tilespmem:$0x6400] =	vst v63  }
0xf: {  	(ifvalue) =	ssetifvalue $0x7FFFFFFF  }
0x10: {  	s14 =	sadd.s32 s17, s14;
	s29 =	sadd.s32 $0x180, s20;
	(ifvalue) =	ssetifvalue $0x7FFFFFFF  }
0x11: {  	[tilespmem:s29], [sflag:$0x1] =	stream.indirect_vreg.gather [hbm4b:s3+s10], $0x1, v0, vm0, $0x4038;
	[tilespmem:$0x6400] =	vst v63  }
0x12: {  	v0 =	vld.msk [tilespmem:s14+$0x0 ss:$0x1], $0xffff;
	_ =	sdelay $0x4  }
0x13: {  	v61 =	vshll.u32 v0, $0xB  }
0x14: {  	v2 =	vshrl.u32 v0, $0x1;
	v3 =	vshrl.u32 v0, $0x7;
	v4 =	vshll.u32 v0, $0x5  }
0x15: {  	vm1 =	veq.s32 v0, $0x80000000;
	v1 =	vand.u32 $0x1C00000, v61;
	v4 =	vand.u32 $0x380000, v4  }
0x16: {  	v0 =	vand.u32 $0x7FF, v0;
	v2 =	vand.u32 $0x70000, v2;
	v1 =	vor.u32 v4, v1  }
0x17: {  	v3 =	vand.u32 $0xE000, v3;
	v0 =	vsel vm1, $0xFFFFFFFF, v0;
	v1 =	vor.u32 v2, v1  }
0x18: {  	v62 =	vshll.u32 v0, $0x2;
	v1 =	vor.u32 v3, v1  }
0x19: {  	v2 =	vand.u32 $0xFFFFFE00, v62;
	v1 =	vsel vm1, $0xFE76E000, v1  }
0x1a: {  	v0 =	vand.u32 $0x7F, v0;
	v1 =	vadd.s32 v2, v1  }
0x1b: {  	v0 =	vor.u32 v0, v1;
	_ =	sdelay $0x1  }
0x1c: {  	s30 =	sand.u32 $0x3E00, s16  }
0x1d: {  	s15 =	sand.u32 $0x70, s15;
	(ifvalue) =	ssetifvalue $0x7FFFFFFF;
	s14 =	sadd.s32 s30, s13;
	v1 =	vadd.s32 $0x80, v0  }
0x1e: {  	(ifvalue) =	ssetifvalue $0x7FFFFFFF;
	s14 =	sadd.s32 s15, s14  }
0x1f: {  	[tilespmem:s14], [sflag:$0x1] =	stream.indirect_vreg.gather [hbm4b:s3+s10], $0x1, v0, vm0, $0x4038;
	[tilespmem:$0x6400] =	vst v63  }
0x20: {  	v63 =	vadd.s32 $0x100, v0;
	(ifvalue) =	ssetifvalue $0x7FFFFFFF  }
0x21: {  	s15 =	sadd.s32 $0x80, s14;
	(ifvalue) =	ssetifvalue $0x7FFFFFFF  }
0x22: {  	[tilespmem:s15], [sflag:$0x1] =	stream.indirect_vreg.gather [hbm4b:s3+s10], $0x1, v1, vm0, $0x4038;
	[tilespmem:$0x6400] =	vst v63  }
0x23: {  	v0 =	vadd.s32 $0x180, v0;
	(ifvalue) =	ssetifvalue $0x7FFFFFFF  }
0x24: {  	s31 =	sadd.s32 $0x100, s14;
	(ifvalue) =	ssetifvalue $0x7FFFFFFF  }
0x25: {  	[tilespmem:s31], [sflag:$0x1] =	stream.indirect_vreg.gather [hbm4b:s3+s10], $0x1, v63, vm0, $0x4038;
	[tilespmem:$0x6400] =	vst v63  }
0x26: {  	(ifvalue) =	ssetifvalue $0x7FFFFFFF  }
0x27: {  	s14 =	sadd.s32 $0x180, s14;
	(ifvalue) =	ssetifvalue $0x7FFFFFFF  }
0x28: {  	[tilespmem:s14], [sflag:$0x1] =	stream.indirect_vreg.gather [hbm4b:s3+s10], $0x1, v0, vm0, $0x4038;
	[tilespmem:$0x6400] =	vst v63  }
0x29: {  	_ =	swait.ge [sflag:s2], $0x2800  }
0x2a: {  	s12 =	sshrl.u32 s12, $0x1;
	[sflag:s2] =	ssyncset.done $0x0  }
0x2b: {  	s12 =	sadd.s32 s6, s12;
	[sflag:s2] =	ssyncadd.s32 $0xFFFFD800  }
0x2c: {  	[hbm:s12] =	stream.linear.scatter [tilespmem:s13], [sflag:$0x3], $0x2800, $0x38;
	[tilespmem:$0x6400] =	vst v63  }
.LBB2_5:
0x2d: {  	p1 =	sne.s32 s11, s9  }
.Ltmp1:
0x2e: {  	p0 =	slt.u32 s11, $0x2;
	(pc) =	sbr.rel @!p1 .LBB2_6-.Ltmp1, $4  }
0x2f: {  	s12 =	simm.s32 @!p0 $0x3  }
0x30: {  	_ =	swait.ge @!p0 [sflag:s12], $0x2800  }
0x31: {  	s13 =	sadd.s32 $0x1, s11;
	[sflag:s12] =	ssyncset.done @!p0 $0x0  }
0x32: {  	s11 =	smov.u32 s13;
	[sflag:s12] =	ssyncadd.s32 @!p0 $0xFFFFD800;
	s12 =	smov.u32 s4  }
.LBB2_1:
0x33: {  	p0 =	sge.u32 s11, s7  }
0x34: {  	s13 =	sxor.u32 @!p0 $0x1, s11  }
0x35: {  	s13 =	smul.u32 @!p0 $0x2800, s13;
	_ =	sdelay $0x1  }
0x36: {  	s31 =	sadd.s32 $0xFFFFFFFF, s11;
	s14 =	simm.s32 @!p0 $0x0;
	s13 =	sshra.s32 @!p0 s13, $0x2  }
0x37: {  	[tilespmem:s13], [sflag:$0x2] =	stream.linear.gather @!p0 [hbm4b:s8+s14], $0xA00, $0x38;
	[tilespmem:$0x6400] =	vst v63  }
0x38: {  	p0 =	sge.u32 s31, s7  }
.Ltmp2:
0x39: {  	_ = 	snop;
	(pc) =	sbr.rel @p0 .LBB2_5-.Ltmp2, $1  }
0x3a: {  	_ =	sdelay $0x3  }
0x3b: {  	s13 =	sand.u32 $0x1, s11  }
0x3c: {  	p0 =	seq.s32 s13, $0x1;
	s13 =	simm.s32 $0x2800  }
0x3d: {  	_ =	swait.ge [sflag:s5], $0xA00;
	s13 =	simm.s32 @!p0 $0x0  }
0x3e: {  	[sflag:s5] =	ssyncset.done $0x0;
	s14 =	sshrl.u32 s13, $0x2  }
0x3f: {  	[sflag:s5] =	ssyncadd.s32 $0xFFFFF600;
	s15 =	sadd.s32 $0x0, s14  }
0x40: {  	v0 =	vld.msk [tilespmem:s15+$0x0 ss:$0x1], $0xffff;
	_ =	sdelay $0x4  }
0x41: {  	v1 =	vshll.u32 v0, $0xB  }
0x42: {  	v2 =	vshrl.u32 v0, $0x1;
	v3 =	vshrl.u32 v0, $0x7;
	v4 =	vshll.u32 v0, $0x5  }
0x43: {  	vm1 =	veq.s32 v0, $0x80000000;
	v1 =	vand.u32 $0x1C00000, v1;
	v4 =	vand.u32 $0x380000, v4  }
0x44: {  	v0 =	vand.u32 $0x7FF, v0;
	v2 =	vand.u32 $0x70000, v2;
	v1 =	vor.u32 v4, v1  }
0x45: {  	v3 =	vand.u32 $0xE000, v3;
	v0 =	vsel vm1, $0xFFFFFFFF, v0;
	v1 =	vor.u32 v2, v1  }
0x46: {  	v2 =	vshll.u32 v0, $0x2;
	v1 =	vor.u32 v3, v1  }
0x47: {  	v2 =	vand.u32 $0xFFFFFE00, v2;
	v1 =	vsel vm1, $0xFE76E000, v1  }
0x48: {  	v0 =	vand.u32 $0x7F, v0;
	v1 =	vadd.s32 v2, v1  }
0x49: {  	v0 =	vor.u32 v0, v1  }
0x4a: {  	s31 =	simm.s32 $0x0  }
0x4b: {  	s16 =	sand.u32 $0x3E00, s31;
	s13 =	sor.u32 $0x1400, s13  }
0x4c: {  	s16 =	sadd.s32 s16, s13;
	(ifvalue) =	ssetifvalue $0x7FFFFFFF;
	s15 =	sand.u32 $0x70, s31;
	v1 =	vadd.s32 $0x80, v0  }
0x4d: {  	(ifvalue) =	ssetifvalue $0x7FFFFFFF;
	s20 =	sadd.s32 s15, s16  }
0x4e: {  	[tilespmem:s20], [sflag:$0x1] =	stream.indirect_vreg.gather [hbm4b:s3+s10], $0x1, v0, vm0, $0x4038;
	[tilespmem:$0x6400] =	vst v63  }
0x4f: {  	(ifvalue) =	ssetifvalue $0x7FFFFFFF  }
0x50: {  	s17 =	sadd.s32 $0x80, s20;
	(ifvalue) =	ssetifvalue $0x7FFFFFFF  }
0x51: {  	[tilespmem:s17], [sflag:$0x1] =	stream.indirect_vreg.gather [hbm4b:s3+s10], $0x1, v1, vm0, $0x4038;
	v1 =	vadd.s32 $0x100, v0;
	[tilespmem:$0x6400] =	vst v63  }
0x52: {  	_ = 	snop  }
0x53: {  	s18 =	simm.s32 $0x20;
	s19 =	simm.s32 $0x80  }
0x54: {  	s15 =	simm.s32 $0x10;
	s16 =	simm.s32 $0x40;
	v0 =	vadd.s32 $0x180, v0;
	(ifvalue) =	ssetifvalue $0x7FFFFFFF  }
0x55: {  	s21 =	sadd.s32 $0x100, s20;
	s17 =	simm.s32 $0x10;
	(ifvalue) =	ssetifvalue $0x7FFFFFFF  }
.LBB2_3:
0x56: {  	[tilespmem:s21], [sflag:$0x1] =	stream.indirect_vreg.gather [hbm4b:s3+s10], $0x1, v1, vm0, $0x4038;
	[tilespmem:$0x6400] =	vst v63  }
0x57: {  	s21 =	sadd.s32 s17, s14;
	s17 =	sshra.s32 s19, $0x2;
	(ifvalue) =	ssetifvalue $0x7FFFFFFF  }
0x58: {  	p0 =	sne.s32 s18, $0x9F0;
	s20 =	sadd.s32 $0x180, s20;
	(ifvalue) =	ssetifvalue $0x7FFFFFFF  }
0x59: {  	[tilespmem:s20], [sflag:$0x1] =	stream.indirect_vreg.gather [hbm4b:s3+s10], $0x1, v0, vm0, $0x4038;
	[tilespmem:$0x6400] =	vst v63  }
0x5a: {  	s20 =	smov.u32 s18;
	s18 =	sadd.s32 $0x10, s18;
	v0 =	vld.msk [tilespmem:s21+$0x0 ss:$0x1], $0xffff;
	_ =	sdelay $0x5  }
0x5b: {  	v1 =	vshll.u32 v0, $0xB;
	v2 =	vshrl.u32 v0, $0x1;
	v3 =	vshrl.u32 v0, $0x7  }
0x5c: {  	vm1 =	veq.s32 v0, $0x80000000;
	v4 =	vshll.u32 v0, $0x5;
	v3 =	vand.u32 $0xE000, v3  }
0x5d: {  	v0 =	vand.u32 $0x7FF, v0;
	v1 =	vand.u32 $0x1C00000, v1;
	v4 =	vand.u32 $0x380000, v4  }
0x5e: {  	v0 =	vsel vm1, $0xFFFFFFFF, v0;
	v2 =	vand.u32 $0x70000, v2;
	v1 =	vor.u32 v4, v1  }
0x5f: {  	v1 =	vor.u32 v2, v1;
	v2 =	vshll.u32 v0, $0x2  }
0x60: {  	v1 =	vor.u32 v3, v1  }
0x61: {  	v2 =	vand.u32 $0xFFFFFE00, v2;
	v1 =	vsel vm1, $0xFE76E000, v1  }
0x62: {  	v0 =	vand.u32 $0x7F, v0;
	v1 =	vadd.s32 v2, v1  }
0x63: {  	v0 =	vor.u32 v0, v1;
	(ifvalue) =	ssetifvalue $0x7FFFFFFF  }
0x64: {  	(ifvalue) =	ssetifvalue $0x7FFFFFFF  }
0x65: {  	s21 =	sand.u32 $0x3E00, s16;
	s16 =	smov.u32 s19  }
0x66: {  	s22 =	sand.u32 $0x70, s15;
	s15 =	smov.u32 s20;
	s21 =	sadd.s32 s21, s13;
	v2 =	vadd.s32 $0x80, v0  }
0x67: {  	s20 =	sadd.s32 s22, s21  }
0x68: {  	[tilespmem:s20], [sflag:$0x1] =	stream.indirect_vreg.gather [hbm4b:s3+s10], $0x1, v0, vm0, $0x4038;
	[tilespmem:$0x6400] =	vst v63  }
.Ltmp3:
0x69: {  	v1 =	vadd.s32 $0x100, v0;
	(ifvalue) =	ssetifvalue $0x7FFFFFFF;
	(pc) =	sbr.rel @p0 .LBB2_3-.Ltmp3, $4  }
0x6a: {  	s21 =	sadd.s32 $0x80, s20;
	(ifvalue) =	ssetifvalue $0x7FFFFFFF  }
0x6b: {  	[tilespmem:s21], [sflag:$0x1] =	stream.indirect_vreg.gather [hbm4b:s3+s10], $0x1, v2, vm0, $0x4038;
	[tilespmem:$0x6400] =	vst v63  }
0x6c: {  	v0 =	vadd.s32 $0x180, v0;
	(ifvalue) =	ssetifvalue $0x7FFFFFFF  }
0x6d: {  	s19 =	sadd.s32 $0x40, s19;
	s21 =	sadd.s32 $0x100, s20;
	(ifvalue) =	ssetifvalue $0x7FFFFFFF  }
.Ltmp4:
0x6e: {  	_ = 	snop;
	(pc) =	sbr.rel .LBB2_4-.Ltmp4, $1  }
0x6f: {  	_ =	sdelay $0x3  }
.LBB2_6:
0x70: {  	_ =	sfence.sel $0x180000  }
0x71: {  	s2 =	simm.s32 $0x2;
	[bflag:$0x0] =	sbarrier.arrive $0xFFFF  }
0x72: {  	s30 =	simm.s32 $0x3;
	[sflag:s2] =	ssyncpa.u1 $0x1  }
0x73: {  	s31 =	simm.s32 $0x1;
	[sflag:s30] =	ssyncpa.u1 $0x1  }
0x74: {  	[sflag:s31] =	ssyncpa.u1 $0x1  }
0x75: {  	p0 =	sne.s32 s1, $0x0;
	_ =	strace $0x90000050  }
0x76: {  	s0 =	sadd.s32 @!p0 $0x100000, s0;
	[bflag:$0x2] =	sbarrier.arrive $0xFFFF  }
0x77: {  	[sflag:s0] =	ssyncadd.tile.s32 @!p0 $0x1;
	_ =	shalt  }
.Lfunc_end2:
_tile_overlayer_lowered:
.L_overlay_start_2:
0x78: {  	(tag) =	ssettag $0x2  }
0x79: {  	s0 =	rddreg [dreg:$0x0];
	s2 =	stileid.u32  }
0x7a: {  	s1 =	rddreg [dreg:$0x1];
	p0 =	sne.s32 s2, $0x0  }
0x7b: {  	s3 =	rddreg [dreg:$0x2];
	[bflag:$0x3] =	sbarrier.arrive $0xFFFF;
	s2 =	simm.s32 @!p0 $0x1C01  }
0x7c: {  	[timem:s3], [sflag:s2] =	dma.local @!p0 [hbm:s0], s1  }
0x7d: {  	s0 =	simm.s32 @!p0 $0x1  }
0x7e: {  	_ =	swait.ge @!p0 [sflag:s0], s1  }
0x7f: {  	s1 =	ssub.s32 @!p0 $0x0, s1;
	[sflag:s0] =	ssyncset.done @!p0 $0x0  }
0x80: {  	[sflag:s0] =	ssyncadd.s32 @!p0 s1  }
0x81: {  	[bflag:$0x3] =	sbarrier.arrive $0xFFFF  }
0x82: {  	_ =	shalt  }

// kernel: gather_offload_async_start
scs
__scs_entry_jumppad:
0x0: {  	(pc) =	sbr.rel $0x88, $3  }
0x1: {  	(tag) =	ssettag $0x0;
	lr =	simm.s32 $0x1  }
0x2: {  	[smem:$0x3F9F] =	sst lr;
	_ =	strace $0xD0000000  }
0x3: {  	_ = 	snop  }
0x4: {  	_ = 	snop  }
0x5: {  	_ = 	snop  }
0x6: {  	_ = 	snop  }
0x7: {  	_ = 	snop  }
__scs_overlays_trampoline_lowered:
0x8: {  	[smem:$0x3FAE] =	sst s0  }
0x9: {  	[smem:$0x3FAF] =	sst s1  }
0xa: {  	[smem:$0x3FB0] =	sst s2  }
0xb: {  	[smem:$0x3FB1] =	sst s3  }
0xc: {  	[smem:$0x3FB2] =	sst s4  }
0xd: {  	[smem:$0x3FB3] =	sst s5  }
0xe: {  	[smem:$0x3FB4] =	sst s6  }
0xf: {  	[smem:$0x3FB5] =	sst s7  }
0x10: {  	[smem:$0x3FB6] =	sst s8  }
0x11: {  	[smem:$0x3FB7] =	sst s9;
	s0 =	simm.s32 @!p0 $0x0  }
0x12: {  	s1 =	sld [smem:$0x3F9D];
	s0 =	simm.s32 @p0 $0x1  }
0x13: {  	[smem:$0x3FB8] =	sst s0;
	s0 =	simm.s32 @!p1 $0x0  }
0x14: {  	s2 =	sld [smem:$0x3F9C];
	s0 =	simm.s32 @p1 $0x1  }
0x15: {  	[smem:$0x3FB9] =	sst s0;
	s0 =	simm.s32 @!p2 $0x0  }
0x16: {  	s3 =	sld [smem:$0x3FDB];
	s0 =	simm.s32 @p2 $0x1  }
0x17: {  	s4 =	simm.s32 $0x1BF5;
	[smem:$0x3FBB] =	sst s0  }
0x18: {  	s0 =	sld [smem:$0x3F9E];
	_ =	swait.ge [sflag:s4], $0x0  }
0x19: {  	s7 =	sld [smem:$0x3F9F]  }
0x1a: {  	s8 =	sadd.s32 $0xFFFFE003, lr  }
0x1b: {  	s9 =	sadd.s32 $0xFFFFFEF7, lr;
	s5 =	simm.s32 $0xFFFFFFFF;
	p2 =	slt.u32 s8, $0xFFFFF086  }
0x1c: {  	p1 =	slt.u32 s9, $0xF7A;
	s5 =	simm.s32 @!p2 $0x0  }
0x1d: {  	s5 =	simm.s32 @p1 $0x1;
	p0 =	seq.s32 s7, s2  }
0x1e: {  	s7 =	smul.u32 @!p0 $0xF7A, s2;
	p2 =	seq.s32 @!p0 s5, $0x0  }
0x1f: {  	s9 =	smul.u32 $0xF7A, s1;
	s8 =	simm.s32 @!p0 $0x1BF5;
	p2 =	por !p2, p0  }
0x20: {  	[sflag:s8] =	ssyncset.s32 @!p0 $0xFFFFF086;
	s6 =	sadd.s32 @!p0 s3, s7;
	s7 =	simm.s32 @!p0 $0x108  }
0x21: {  	s3 =	sadd.s32 s3, s9;
	s6 =	sadd.s32 @!p0 $0x88, s6;
	s7 =	simm.s32 @p2 $0x1082  }
0x22: {  	[simem:s7], [sflag:s8] =	dma.local @!p0 [hbm:s6], $0xF7A  }
0x23: {  	s9 =	sor.u32 $0xD0000000, s2;
	s6 =	simm.s32 $0x108;
	_ =	swait.ge @!p0 [sflag:s8], $0x0  }
0x24: {  	s3 =	sadd.s32 $0x88, s3;
	s6 =	simm.s32 @!p1 $0x1082;
	[sflag:s4] =	ssyncset.s32 $0xFFFFF086  }
0x25: {  	[simem:s6], [sflag:s4] =	dma.local [hbm:s3], $0xF7A  }
0x26: {  	[smem:$0x3F9F] =	sst s1;
	(tag) =	ssettag s2;
	_ =	strace s9  }
0x27: {  	s1 =	sld [smem:$0x3FAF]  }
0x28: {  	s2 =	sld [smem:$0x3FB0]  }
0x29: {  	s4 =	sld [smem:$0x3FB2]  }
0x2a: {  	p0 =	seq.s32 s5, $0x0;
	s5 =	sld [smem:$0x3FB3]  }
0x2b: {  	s6 =	sld [smem:$0x3FB4]  }
0x2c: {  	s7 =	sld [smem:$0x3FB5]  }
0x2d: {  	s3 =	simm.s32 $0x108;
	s8 =	sld [smem:$0x3FB6]  }
0x2e: {  	s3 =	simm.s32 @!p0 $0x1082;
	s9 =	sld [smem:$0x3FB7]  }
0x2f: {  	lr =	sadd.s32 s0, s3;
	s0 =	sld [smem:$0x3FAE]  }
0x30: {  	s3 =	sld [smem:$0x3FB1]  }
0x31: {  	[smem:$0x3FBA] =	sst s10  }
0x32: {  	s10 =	sld [smem:$0x3FB8];
	_ =	sdelay $0x3  }
0x33: {  	p0 =	seq.s32 s10, $0x1;
	s10 =	sld [smem:$0x3FBA];
	_ =	sdelay $0x3  }
0x34: {  	[smem:$0x3FBA] =	sst s10  }
0x35: {  	s10 =	sld [smem:$0x3FB9];
	_ =	sdelay $0x3  }
0x36: {  	p1 =	seq.s32 s10, $0x1;
	s10 =	sld [smem:$0x3FBA];
	_ =	sdelay $0x3  }
0x37: {  	[smem:$0x3FBA] =	sst s10  }
0x38: {  	s10 =	sld [smem:$0x3FBB]  }
0x39: {  	_ = 	snop;
	(pc) =	sbr.ind lr, $3  }
0x3a: {  	_ = 	snop  }
0x3b: {  	_ = 	snop  }
0x3c: {  	p2 =	seq.s32 s10, $0x1;
	s10 =	sld [smem:$0x3FBA]  }
0x3d: {  	_ =	shalt  }
0x3e: {  	_ =	shalt  }
0x3f: {  	_ =	shalt  }
0x40: {  	_ =	shalt  }
0x41: {  	_ =	shalt  }
0x42: {  	_ =	shalt  }
0x43: {  	_ =	shalt  }
0x44: {  	_ =	shalt  }
0x45: {  	_ =	shalt  }
0x46: {  	_ =	shalt  }
0x47: {  	_ =	shalt  }
0x48: {  	_ =	shalt  }
0x49: {  	_ =	shalt  }
0x4a: {  	_ =	shalt  }
0x4b: {  	_ =	shalt  }
0x4c: {  	_ =	shalt  }
0x4d: {  	_ =	shalt  }
0x4e: {  	_ =	shalt  }
0x4f: {  	_ =	shalt  }
0x50: {  	_ =	shalt  }
0x51: {  	_ =	shalt  }
0x52: {  	_ =	shalt  }
0x53: {  	_ =	shalt  }
0x54: {  	_ =	shalt  }
0x55: {  	_ =	shalt  }
0x56: {  	_ =	shalt  }
0x57: {  	_ =	shalt  }
0x58: {  	_ =	shalt  }
0x59: {  	_ =	shalt  }
0x5a: {  	_ =	shalt  }
0x5b: {  	_ =	shalt  }
0x5c: {  	_ =	shalt  }
0x5d: {  	_ =	shalt  }
0x5e: {  	_ =	shalt  }
0x5f: {  	_ =	shalt  }
0x60: {  	_ =	shalt  }
0x61: {  	_ =	shalt  }
0x62: {  	_ =	shalt  }
0x63: {  	_ =	shalt  }
0x64: {  	_ =	shalt  }
0x65: {  	_ =	shalt  }
0x66: {  	_ =	shalt  }
0x67: {  	_ =	shalt  }
0x68: {  	_ =	shalt  }
0x69: {  	_ =	shalt  }
0x6a: {  	_ =	shalt  }
0x6b: {  	_ =	shalt  }
0x6c: {  	_ =	shalt  }
0x6d: {  	_ =	shalt  }
0x6e: {  	_ =	shalt  }
0x6f: {  	_ =	shalt  }
0x70: {  	_ =	shalt  }
0x71: {  	_ =	shalt  }
0x72: {  	_ =	shalt  }
0x73: {  	_ =	shalt  }
0x74: {  	_ =	shalt  }
0x75: {  	_ =	shalt  }
0x76: {  	_ =	shalt  }
0x77: {  	_ =	shalt  }
0x78: {  	_ =	shalt  }
0x79: {  	_ =	shalt  }
0x7a: {  	_ =	shalt  }
0x7b: {  	_ =	shalt  }
0x7c: {  	_ =	shalt  }
0x7d: {  	_ =	shalt  }
0x7e: {  	_ =	shalt  }
0x7f: {  	_ =	shalt  }
0x80: {  	_ =	shalt  }
0x81: {  	_ =	shalt  }
0x82: {  	_ =	shalt  }
0x83: {  	_ =	shalt  }
0x84: {  	_ =	shalt  }
0x85: {  	_ =	shalt  }
0x86: {  	_ =	shalt  }
0x87: {  	_ =	shalt  }
.Lfunc_end0:
.L_simem_size_0:
called_computation.1_lowered:
.L_overlay_start_0:
0x88: {  	s2 =	sld [smem:$0x3FD9]  }
0x89: {  	s3 =	sld [smem:$0x3FFE];
	_ =	sdelay $0x1  }
0x8a: {  	s1 =	srdreg.scid  }
0x8b: {  	s0 =	sand.u32 $0x1, s1  }
0x8c: {  	s16 =	sshll.u32 s0, $0xA;
	s2 =	sadd.s32 s3, s2  }
0x8d: {  	s2 =	sadd.s32 s2, s16  }
0x8e: {  	[smem:$0x3FC6] =	sst s2  }
0x8f: {  	_ = 	snop  }
0x90: {  	(tm) =	ssettm $0x1  }
0x91: {  	s17 =	sld [smem:$0x3FFB];
	_ =	sdelay $0x3  }
0x92: {  	_ =	strace s17  }
0x93: {  	s2 =	sld [smem:$0x3FFC];
	_ =	sdelay $0x3  }
0x94: {  	_ =	strace s2  }
0x95: {  	s2 =	sld [smem:$0x3FFD];
	_ =	sdelay $0x3  }
0x96: {  	_ =	strace s2  }
0x97: {  	_ =	strace $0x8FFFFFFF  }
0x98: {  	s18 =	sld [smem:$0x3FDB];
	_ =	sdelay $0x1  }
0x99: {  	s19 =	simm.s32 $_scs_section_size  }
0x9a: {  	s4 =	simm.s32 $_size__tile_overlayer_lowered;
	s5 =	simm.s32 $_tile_overlayer_lowered  }
0x9b: {  	s22 =	simm.s32 $0x1BFF;
	s21 =	sshll.u32 s5, $0x1;
	s2 =	sadd.s32 s19, s18  }
0x9c: {  	s6 =	simm.s32 $0x0;
	s20 =	sshll.u32 s4, $0x1;
	s4 =	sadd.s32 s21, s2  }
0x9d: {  	[timem:s6], [sflag:s22] =	dma.local [hbm:s4], s20  }
0x9e: {  	_ =	swait.ge [sflag:s22], s20  }
0x9f: {  	s3 =	ssub.s32 $0x0, s20;
	[sflag:s22] =	ssyncset.done $0x0  }
0xa0: {  	[sflag:s22] =	ssyncadd.s32 s3;
	_ =	sdelay $0x1  }
0xa1: {  	s23 =	simm.s32 $0x1B8B  }
0xa2: {  	_ =	swait.ge [sflag:s23], $0x1  }
0xa3: {  	[sflag:s23] =	ssyncset.done $0x0  }
0xa4: {  	s25 =	simm.s32 $0x1B8E;
	s24 =	sld [smem:$0x3FFE];
	[sflag:s23] =	ssyncadd.s32 $0xFFFFFFFF  }
0xa5: {  	s26 =	simm.s32 $execute0_lowered;
	[smem:$0x3FD2] =	sst s25  }
0xa6: {  	s4 =	sshll.u32 s26, $0x1;
	_ =	strace $0x80000046;
	[dreg:$0x1] =	wrdreg $0xFFFFFFFF  }
0xa7: {  	s28 =	simm.s32 $_size_execute0_lowered;
	s2 =	sadd.s32 s2, s4;
	[dreg:$0x0] =	wrdreg $0x0  }
0xa8: {  	s4 =	sshll.u32 s28, $0x1;
	[dreg:$0x2] =	wrdreg s2  }
0xa9: {  	[dreg:$0x3] =	wrdreg s4  }
0xaa: {  	[dreg:$0x4] =	wrdreg $0xC0  }
0xab: {  	_ =	task [dreg:s6], $0x5FFFF  }
0xac: {  	[dreg:$0x1] =	wrdreg $0xFFFFFFFF  }
0xad: {  	[dreg:$0x0] =	wrdreg $0x60  }
0xae: {  	[dreg:$0x2] =	wrdreg s24  }
0xaf: {  	[dreg:$0x3] =	wrdreg $0x9  }
0xb0: {  	_ =	task.clear_ibuf [dreg:s6], $0x4FFFF;
	_ =	strace $0x90000046  }
0xb1: {  	s29 =	simm.s32 $0x9;
	_ =	strace $0x80000048  }
0xb2: {  	_ =	swait.ge [sflag:s29], $0x1  }
0xb3: {  	[sflag:s29] =	ssyncadd.s32 $0xFFFFFFFF  }
0xb4: {  	_ =	strace $0x90000048  }
0xb5: {  	_ =	sfence  }
0xb6: {  	s30 =	sld [smem:$0x0];
	_ =	sdelay $0x2  }
0xb7: {  	s31 =	sshll.u32 s1, $0xD;
	s1 =	sshrl.u32 s1, $0x2  }
0xb8: {  	s3 =	sand.u32 $0x4000, s31;
	s1 =	sadd.s32 s1, s30  }
0xb9: {  	s0 =	sor.u32 s3, s0;
	s1 =	sshll.u32 s1, $0x11  }
0xba: {  	s0 =	sor.u32 s1, s0  }
0xbb: {  	s0 =	sadd.s32 $0x8F2B, s0  }
0xbc: {  	[sflag:s0] =	ssyncadd.remote.s32 $0x1  }
0xbd: {  	_ =	sfence.sel $0xFFFF  }
0xbe: {  	[dreg:$0x0] =	wrdreg $0xFFFFFFFF;
	(pc) =	sbr.abs _section_cstart, $3  }
0xbf: {  	[dreg:$0x1] =	wrdreg $0xFFFFFFFF  }
0xc0: {  	_ =	task.clear_ibuf [dreg:s6], $0x2FFFF;
	_ =	strace $0x9FFFFFFF  }
0xc1: {  	(tm) =	ssettm $0x7FFFFFFF  }
tec
execute0_lowered:
.L_overlay_start_1:
0x0: {  	(tag) =	ssettag $0x1  }
0x1: {  	s2 =	rddreg [dreg:$0x0]  }
0x2: {  	s0 =	rddreg [dreg:$0x1]  }
0x3: {  	s1 =	srdreg.scid;
	_ =	strace $0x80000047;
	s4 =	simm.s32 $0x1  }
0x4: {  	s9 =	simm.s32 $0x3;
	s12 =	simm.s32 $0x0;
	s5 =	sshll.u32 s1, $0x4  }
.Ltmp0:
0x5: {  	s1 =	stileid.u32;
	s5 =	sand.u32 $0x10, s5;
	(pc) =	sbr.rel .LBB2_1-.Ltmp0, $4  }
0x6: {  	s10 =	simm.s32 $0x0;
	s3 =	sadd.s32 $0x10000, s2;
	s6 =	sor.u32 s1, s5  }
0x7: {  	[sflag:s4] =	ssyncpa.u1 $0x0;
	s5 =	simm.s32 $0x2;
	s6 =	sshll.u32 s6, $0x6  }
0x8: {  	s7 =	sadd.s32 $0x29200, s2;
	[sflag:s5] =	ssyncpa.u1 $0x0;
	s8 =	sadd.s32 $0x40, s6  }
0x9: {  	v0 =	vimm.s32 $0x0;
	vm0 =	vmmov $0xff;
	vm1 =	vcmask $0x3F20;
	[sflag:s9] =	ssyncpa.u1 $0x0;
	s9 =	simm.s32 $0x40;
	s11 =	smov.u32 s6  }
.LBB2_9:
0xa: {  	p0 =	seq.s32 s10, $0x2  }
.Ltmp1:
0xb: {  	_ = 	snop;
	(pc) =	sbr.rel @p0 .LBB2_11-.Ltmp1, $1  }
0xc: {  	_ =	sdelay $0x3  }
.LBB2_10:
0xd: {  	s12 =	sadd.s32 $0x40, s11  }
0xe: {  	s13 =	smov.u32 s6;
	p0 =	slt.s32 s12, s8  }
0xf: {  	s13 =	smov.u32 @p0 s12  }
0x10: {  	s10 =	sadd.s32 $0x1, s10;
	s12 =	smov.u32 s11;
	s11 =	smov.u32 s13  }
.LBB2_1:
0x11: {  	p0 =	sne.s32 s10, $0x0  }
.Ltmp2:
0x12: {  	_ = 	snop;
	(pc) =	sbr.rel @!p0 .LBB2_2-.Ltmp2, $1  }
0x13: {  	_ =	sdelay $0x3  }
0x14: {  	s13 =	sand.u32 $0x1, s10  }
0x15: {  	p0 =	seq.s32 s13, $0x0  }
.Ltmp3:
0x16: {  	_ = 	snop;
	(pc) =	sbr.rel @p0 .LBB2_9-.Ltmp3, $1  }
0x17: {  	_ =	sdelay $0x3  }
0x18: {  	_ =	swait.ge [sflag:s5], $0x40  }
0x19: {  	[sflag:s5] =	ssyncset.done $0x0  }
0x1a: {  	s13 =	simm.s32 $0x0;
	[sflag:s5] =	ssyncadd.s32 $0xFFFFFFC0  }
0x1b: {  	v1 =	vld.msk [tilespmem:s13+$0x40 ss:$0x1], $0xffff;
	_ =	sdelay $0x4  }
0x1c: {  	v2 =	vshll.u32 v1, $0x7  }
0x1d: {  	vm2 =	veq.s32 v1, $0x80000000;
	v1 =	vand.u32 $0x3FF80, v2  }
0x1e: {  	v2 =	vsel vm2, $0xFFFFFFFF, v0;
	v1 =	vsel vm2, $0xFFFFFF80, v1  }
0x1f: {  	v2 =	vshll.u32 v2, $0x12;
	v3 =	vand.u32 $0xFFFFFC00, v1  }
0x20: {  	v1 =	vand.u32 $0x380, v1;
	v2 =	vadd.s32 v2, v3  }
0x21: {  	v1 =	vor.u32 v1, v2  }
0x22: {  	v1 =	vshrl.u32 v1, $0x3;
	_ =	sdelay $0x3  }
0x23: {  	s13 =	simm.s32 $0x2080  }
0x24: {  	[tilespmem:s13], [sflag:$0x1] =	stream.indirect_vreg.gather [hbm:s2], $0x80, v1, vm0, $0x38;
	[tilespmem:$0x4080] =	vst v63  }
0x25: {  	s14 =	simm.s32 $0x2480;
	s31 =	simm.s32 $0x10  }
0x26: {  	[tilespmem:s14], [sflag:$0x1] =	stream.indirect_vreg.gather [hbm:s2], $0x80, v1, vm1, $0x38;
	[tilespmem:$0x4080] =	vst v63  }
0x27: {  	s14 =	simm.s32 $0x80;
	v1 =	vld.msk [tilespmem:s31+$0x40 ss:$0x1], $0xffff  }
.LBB2_5:
0x28: {  	p0 =	sne.s32 s14, $0xC0;
	_ =	sdelay $0x4  }
0x29: {  	v2 =	vshll.u32 v1, $0x7  }
0x2a: {  	vm2 =	veq.s32 v1, $0x80000000;
	v1 =	vand.u32 $0x3FF80, v2  }
0x2b: {  	v2 =	vsel vm2, $0xFFFFFFFF, v0;
	v1 =	vsel vm2, $0xFFFFFF80, v1  }
0x2c: {  	v2 =	vshll.u32 v2, $0x12;
	v3 =	vand.u32 $0xFFFFFC00, v1  }
0x2d: {  	v1 =	vand.u32 $0x380, v1;
	v2 =	vadd.s32 v2, v3  }
0x2e: {  	v1 =	vor.u32 v1, v2  }
0x2f: {  	v1 =	vshrl.u32 v1, $0x3;
	_ =	sdelay $0x3  }
.Ltmp4:
0x30: {  	s13 =	sadd.s32 $0x800, s13;
	(pc) =	sbr.rel @p0 .LBB2_5-.Ltmp4, $4  }
0x31: {  	[tilespmem:s13], [sflag:$0x1] =	stream.indirect_vreg.gather [hbm:s2], $0x80, v1, vm0, $0x38;
	[tilespmem:$0x4080] =	vst v63  }
0x32: {  	s15 =	sshra.s32 s14, $0x2;
	s16 =	sadd.s32 $0x400, s13  }
0x33: {  	[tilespmem:s16], [sflag:$0x1] =	stream.indirect_vreg.gather [hbm:s2], $0x80, v1, vm1, $0x38;
	[tilespmem:$0x4080] =	vst v63  }
0x34: {  	s14 =	sadd.s32 $0x40, s14;
	v1 =	vld.msk [tilespmem:s15+$0x40 ss:$0x1], $0xffff  }
0x35: {  	_ =	sdelay $0x3  }
0x36: {  	v2 =	vshll.u32 v1, $0x7  }
0x37: {  	vm2 =	veq.s32 v1, $0x80000000;
	v1 =	vand.u32 $0x3FF80, v2  }
0x38: {  	v2 =	vsel vm2, $0xFFFFFFFF, v0;
	v1 =	vsel vm2, $0xFFFFFF80, v1  }
0x39: {  	v2 =	vshll.u32 v2, $0x12;
	v3 =	vand.u32 $0xFFFFFC00, v1  }
0x3a: {  	v1 =	vand.u32 $0x380, v1;
	v2 =	vadd.s32 v2, v3  }
0x3b: {  	v1 =	vor.u32 v1, v2  }
0x3c: {  	v1 =	vshrl.u32 v1, $0x3;
	_ =	sdelay $0x3  }
0x3d: {  	s13 =	sadd.s32 $0x800, s13  }
0x3e: {  	[tilespmem:s13], [sflag:$0x1] =	stream.indirect_vreg.gather [hbm:s2], $0x80, v1, vm0, $0x38;
	[tilespmem:$0x4080] =	vst v63  }
0x3f: {  	s13 =	sadd.s32 $0x400, s13  }
0x40: {  	[tilespmem:s13], [sflag:$0x1] =	stream.indirect_vreg.gather [hbm:s2], $0x80, v1, vm1, $0x38;
	[tilespmem:$0x4080] =	vst v63  }
0x41: {  	s12 =	sshll.u32 s12, $0x4;
	s14 =	simm.s32 $0x80;
	_ =	swait.ge [sflag:s4], $0x2000  }
0x42: {  	s15 =	simm.s32 $0x2480;
	s12 =	sadd.s32 s12, s7;
	[sflag:s4] =	ssyncset.done $0x0  }
0x43: {  	s16 =	sadd.s32 $0x0, s12;
	s13 =	simm.s32 $0x2080;
	[sflag:s4] =	ssyncadd.s32 $0xFFFFE000  }
.LBB2_7:
0x44: {  	[hbm:s16] =	stream.linear.scatter [tilespmem:s13], [sflag:$0x3], $0x400, $0x38;
	[tilespmem:$0x4080] =	vst v63  }
0x45: {  	s16 =	smov.u32 s14;
	s13 =	smov.u32 s15;
	p0 =	sne.s32 s14, $0x380  }
.Ltmp5:
0x46: {  	s14 =	sadd.s32 $0x80, s14;
	(pc) =	sbr.rel @p0 .LBB2_7-.Ltmp5, $2  }
0x47: {  	_ =	sdelay $0x2  }
0x48: {  	s15 =	sadd.s32 $0x400, s15;
	s16 =	sadd.s32 s16, s12  }
.Ltmp6:
0x49: {  	(pc) =	sbr.rel .LBB2_9-.Ltmp6, $2  }
0x4a: {  	_ =	sdelay $0x2  }
0x4b: {  	[hbm:s16] =	stream.linear.scatter [tilespmem:s13], [sflag:$0x3], $0x400, $0x38;
	[tilespmem:$0x4080] =	vst v63  }
.LBB2_2:
.Ltmp7:
0x4c: {  	(pc) =	sbr.rel .LBB2_10-.Ltmp7, $4  }
0x4d: {  	_ = 	snop  }
0x4e: {  	s12 =	sshrl.u32 s11, $0x3  }
0x4f: {  	s13 =	sand.u32 $0x7, s11;
	s12 =	sadd.s32 s3, s12  }
0x50: {  	[tilespmem:s9], [sflag:$0x2] =	stream.linear.gather [hbm4b:s12+s13], $0x40, $0x38;
	[tilespmem:$0x4080] =	vst v63  }
.LBB2_11:
0x51: {  	s2 =	simm.s32 $0x3  }
0x52: {  	_ =	swait.ge [sflag:s2], $0x2000  }
0x53: {  	[sflag:s2] =	ssyncset.done $0x0  }
0x54: {  	[sflag:s2] =	ssyncadd.s32 $0xFFFFE000  }
0x55: {  	_ =	sfence.sel $0x180000  }
0x56: {  	s3 =	simm.s32 $0x2;
	[bflag:$0x0] =	sbarrier.arrive $0xFFFF  }
0x57: {  	[sflag:s3] =	ssyncpa.u1 $0x1  }
0x58: {  	s31 =	simm.s32 $0x1;
	[sflag:s2] =	ssyncpa.u1 $0x1  }
0x59: {  	[sflag:s31] =	ssyncpa.u1 $0x1  }
0x5a: {  	p0 =	sne.s32 s1, $0x0;
	_ =	strace $0x90000047  }
0x5b: {  	s0 =	sadd.s32 @!p0 $0x100000, s0;
	[bflag:$0x2] =	sbarrier.arrive $0xFFFF  }
0x5c: {  	[sflag:s0] =	ssyncadd.tile.s32 @!p0 $0x1;
	_ =	shalt  }
.Lfunc_end2:
_tile_overlayer_lowered:
.L_overlay_start_2:
0x5d: {  	(tag) =	ssettag $0x2  }
0x5e: {  	s0 =	rddreg [dreg:$0x0];
	s2 =	stileid.u32  }
0x5f: {  	s1 =	rddreg [dreg:$0x1];
	p0 =	sne.s32 s2, $0x0  }
0x60: {  	s3 =	rddreg [dreg:$0x2];
	[bflag:$0x3] =	sbarrier.arrive $0xFFFF;
	s2 =	simm.s32 @!p0 $0x1C01  }
0x61: {  	[timem:s3], [sflag:s2] =	dma.local @!p0 [hbm:s0], s1  }
0x62: {  	s0 =	simm.s32 @!p0 $0x1  }
0x63: {  	_ =	swait.ge @!p0 [sflag:s0], s1  }
0x64: {  	s1 =	ssub.s32 @!p0 $0x0, s1;
	[sflag:s0] =	ssyncset.done @!p0 $0x0  }
0x65: {  	[sflag:s0] =	ssyncadd.s32 @!p0 s1  }
0x66: {  	[bflag:$0x3] =	sbarrier.arrive $0xFFFF  }
0x67: {  	_ =	shalt  }

// kernel: sparse-core-data-format-call.cloned.1.call-start
scs
called_computation_lowered:
.L_overlay_start_0:
0x0: {  	s2 =	sld [smem:$0x3FD9]  }
0x1: {  	s3 =	sld [smem:$0x3FFE];
	_ =	sdelay $0x1  }
0x2: {  	s1 =	srdreg.scid  }
0x3: {  	s0 =	sand.u32 $0x1, s1  }
0x4: {  	s18 =	sshll.u32 s0, $0xA;
	s2 =	sadd.s32 s3, s2  }
0x5: {  	s2 =	sadd.s32 s2, s18  }
0x6: {  	[smem:$0x3FC6] =	sst s2  }
0x7: {  	_ = 	snop  }
0x8: {  	(tm) =	ssettm $0x1  }
0x9: {  	s19 =	sld [smem:$0x3FFB];
	_ =	sdelay $0x3  }
0xa: {  	_ =	strace s19  }
0xb: {  	s2 =	sld [smem:$0x3FFC];
	_ =	sdelay $0x3  }
0xc: {  	_ =	strace s2  }
0xd: {  	s2 =	sld [smem:$0x3FFD];
	_ =	sdelay $0x3  }
0xe: {  	_ =	strace s2  }
0xf: {  	_ =	strace $0x8FFFFFFF  }
0x10: {  	s20 =	sld [smem:$0x3FDB];
	_ =	sdelay $0x1  }
0x11: {  	s21 =	simm.s32 $_scs_section_size  }
0x12: {  	s4 =	simm.s32 $_size__tile_overlayer_lowered;
	s5 =	simm.s32 $_tile_overlayer_lowered  }
0x13: {  	s6 =	simm.s32 $0x1BFF;
	s22 =	sshll.u32 s5, $0x1;
	s3 =	sadd.s32 s21, s20  }
0x14: {  	s23 =	simm.s32 $0x0;
	s4 =	sshll.u32 s4, $0x1;
	s5 =	sadd.s32 s22, s3  }
0x15: {  	[timem:s23], [sflag:s6] =	dma.local [hbm:s5], s4  }
0x16: {  	_ =	swait.ge [sflag:s6], s4  }
0x17: {  	s4 =	ssub.s32 $0x0, s4;
	[sflag:s6] =	ssyncset.done $0x0  }
0x18: {  	[sflag:s6] =	ssyncadd.s32 s4;
	_ =	sdelay $0x1  }
0x19: {  	s24 =	simm.s32 $0x1B8B  }
0x1a: {  	_ =	swait.ge [sflag:s24], $0x1  }
0x1b: {  	[sflag:s24] =	ssyncset.done $0x0  }
0x1c: {  	[sflag:s24] =	ssyncadd.s32 $0xFFFFFFFF  }
0x1d: {  	s4 =	sld [smem:$0x0]  }
0x1e: {  	s5 =	sand.u32 $0xFFFFFFFE, s1  }
0x1f: {  	p0 =	sne.s32 s1, s5  }
0x20: {  	s5 =	sshll.u32 @p0 s5, $0xE  }
0x21: {  	s5 =	sadd.s32 @p0 $0x11B8D, s5;
	s6 =	sshll.u32 @p0 s4, $0x11  }
0x22: {  	s5 =	sor.u32 @p0 s6, s5  }
0x23: {  	[sflag:s5] =	ssyncadd.remote.s32 @p0 $0x1;
	_ =	sdelay $0x1  }
0x24: {  	s5 =	simm.s32 @p0 $0x1B8D  }
0x25: {  	_ =	swait.eq @p0 [sflag:s5], $0x1  }
0x26: {  	[sflag:s5] =	ssyncadd.s32 @p0 $0xFFFFFFFF  }
0x27: {  	s6 =	sshll.u32 @!p0 s1, $0xE  }
0x28: {  	s6 =	sor.u32 @!p0 $0x4000, s6;
	s5 =	simm.s32 @!p0 $0x1B8D  }
0x29: {  	s4 =	sshll.u32 @!p0 s4, $0x11;
	s6 =	sadd.s32 @!p0 $0x11B8D, s6;
	_ =	swait.eq @!p0 [sflag:s5], $0x1  }
0x2a: {  	s4 =	sor.u32 @!p0 s4, s6;
	[sflag:s5] =	ssyncadd.s32 @!p0 $0xFFFFFFFF  }
0x2b: {  	s26 =	simm.s32 $0x1B8E;
	s25 =	sld [smem:$0x3FFE];
	[sflag:s4] =	ssyncadd.remote.s32 @!p0 $0x1  }
0x2c: {  	s27 =	simm.s32 $execute0_lowered;
	[smem:$0x3FD2] =	sst s26  }
0x2d: {  	s5 =	sshll.u32 s27, $0x1;
	_ =	strace $0x8000004C;
	[dreg:$0x1] =	wrdreg $0xFFFFFFFF  }
0x2e: {  	s28 =	simm.s32 $_size_execute0_lowered;
	s3 =	sadd.s32 s3, s5;
	[dreg:$0x0] =	wrdreg $0x0  }
0x2f: {  	s5 =	sshll.u32 s28, $0x1;
	[dreg:$0x2] =	wrdreg s3  }
0x30: {  	[dreg:$0x3] =	wrdreg s5  }
0x31: {  	[dreg:$0x4] =	wrdreg $0xC0  }
0x32: {  	_ =	task [dreg:s23], $0x5FFFF  }
0x33: {  	[dreg:$0x1] =	wrdreg $0xFFFFFFFF  }
0x34: {  	[dreg:$0x0] =	wrdreg $0x60  }
0x35: {  	[dreg:$0x2] =	wrdreg s25  }
0x36: {  	[dreg:$0x3] =	wrdreg $0x9  }
0x37: {  	_ =	task.clear_ibuf [dreg:s23], $0x4FFFF;
	_ =	strace $0x9000004C  }
0x38: {  	s29 =	simm.s32 $0x9;
	_ =	strace $0x8000004E  }
0x39: {  	_ =	swait.ge [sflag:s29], $0x1  }
0x3a: {  	[sflag:s29] =	ssyncadd.s32 $0xFFFFFFFF  }
0x3b: {  	_ =	strace $0x9000004E  }
0x3c: {  	_ =	sfence  }
0x3d: {  	s30 =	sld [smem:$0x0];
	_ =	sdelay $0x2  }
0x3e: {  	s31 =	sshll.u32 s1, $0xD;
	s1 =	sshrl.u32 s1, $0x2  }
0x3f: {  	s4 =	sand.u32 $0x4000, s31;
	s1 =	sadd.s32 s1, s30  }
0x40: {  	s0 =	sor.u32 s4, s0;
	s1 =	sshll.u32 s1, $0x11  }
0x41: {  	s0 =	sor.u32 s1, s0  }
0x42: {  	s0 =	sadd.s32 $0x8F2B, s0  }
0x43: {  	[sflag:s0] =	ssyncadd.remote.s32 $0x1  }
0x44: {  	_ =	sfence.sel $0xFFFF  }
0x45: {  	[dreg:$0x0] =	wrdreg $0xFFFFFFFF;
	(pc) =	sbr.abs _section_cstart, $3  }
0x46: {  	[dreg:$0x1] =	wrdreg $0xFFFFFFFF  }
0x47: {  	_ =	task.clear_ibuf [dreg:s23], $0x2FFFF;
	_ =	strace $0x9FFFFFFF  }
0x48: {  	(tm) =	ssettm $0x7FFFFFFF  }
0x49: {  	_ =	shalt  }
tec
execute0_lowered:
.L_overlay_start_1:
0x0: {  	(tag) =	ssettag $0x1  }
0x1: {  	s0 =	stileid.u32  }
0x2: {  	s2 =	srdreg.scid;
	s7 =	rddreg [dreg:$0x0];
	s8 =	simm.s32 $0x2  }
0x3: {  	s16 =	simm.s32 $0x0;
	s9 =	simm.s32 $0x2000;
	s1 =	sshll.u32 s0, $0x7  }
0x4: {  	s18 =	simm.s32 $0x0;
	s19 =	simm.s32 $0x0;
	s3 =	ssub.s32 $0x800, s1  }
0x5: {  	s17 =	simm.s32 $0x0;
	s2 =	sand.u32 $0x1, s2;
	s4 =	sand.u32 $0x780, s3  }
0x6: {  	s5 =	ssub.s32 $0x8, s2;
	p0 =	sne.s32 s4, $0x0;
	s4 =	simm.s32 $0x1  }
0x7: {  	s3 =	sshrl.u32 s3, $0xB;
	s6 =	sshrl.u32 s5, $0x1;
	s4 =	simm.s32 @!p0 $0x0  }
0x8: {  	s20 =	simm.s32 $0x0;
	s5 =	ssub.s32 s5, s6;
	s4 =	sadd.s32 s4, s3  }
0x9: {  	s10 =	simm.s32 $0x0;
	s12 =	simm.s32 $0x0;
	s5 =	smul.u32 s4, s5  }
.Ltmp0:
0xa: {  	s14 =	simm.s32 $0x0;
	s15 =	simm.s32 $0x0;
	(pc) =	sbr.rel .LBB1_1-.Ltmp0, $4  }
0xb: {  	s11 =	smov.u32 s2;
	s13 =	smov.u32 s1;
	s3 =	rddreg [dreg:$0x1]  }
0xc: {  	_ =	strace $0x8000004D;
	s4 =	simm.s32 $0x1;
	s5 =	smul.u32 $0x78, s5  }
0xd: {  	s6 =	sadd.s32 $0x3871600, s7;
	s7 =	sadd.s32 $0x2B1600, s7;
	[sflag:s4] =	ssyncpa.u1 $0x0  }
0xe: {  	p0 =	por $0x0, $0x0;
	[sflag:s8] =	ssyncpa.u1 $0x0;
	s8 =	sor.u32 $0x1, s5  }
.LBB1_4:
0xf: {  	s20 =	sshll.u32 s20, $0x7  }
0x10: {  	s23 =	sand.u32 $0x78, s17;
	s24 =	sshll.u32 s17, $0x2;
	s19 =	sshll.u32 s19, $0x13  }
0x11: {  	s18 =	sshll.u32 s18, $0x10;
	s29 =	sshrl.u32 s17, $0x1;
	s16 =	sshll.u32 s16, $0xD  }
0x12: {  	s20 =	sand.u32 $0x180, s20;
	s24 =	sand.u32 $0x600, s24;
	s19 =	sadd.s32 s7, s19  }
0x13: {  	s20 =	sor.u32 s20, s23;
	s23 =	sand.u32 $0x300, s29;
	s18 =	sadd.s32 s18, s19  }
0x14: {  	s30 =	sand.u32 $0x7, s17;
	s20 =	sor.u32 s24, s20;
	s18 =	sadd.s32 s23, s18  }
0x15: {  	s17 =	sshll.u32 s30, $0x12;
	s31 =	sshrl.u32 s20, $0x3;
	s16 =	sadd.s32 s16, s18  }
0x16: {  	[tilespmem:s22+$0x0 ss:$0x81] =	vst.msk $0xff, v0;
	s17 =	sor.u32 $0x80, s17;
	s16 =	sadd.s32 s31, s16  }
0x17: {  	[hbm4b:s16+s17] =	stream.strided.scatter [tilespmem:s21], [sflag:$0x2], $0x400, s9, s17, $0x20;
	[tilespmem:$0x1010] =	vst v63  }
.LBB1_5:
0x18: {  	s21 =	sadd.s32 $0x1, s10  }
0x19: {  	s16 =	sadd.s32 $0x2, s11;
	s22 =	smov.u32 s11;
	p2 =	sgt.s32 s21, $0x7  }
0x1a: {  	s22 =	smov.u32 @p2 s16  }
0x1b: {  	s16 =	simm.s32 $0x1;
	p3 =	sgt.s32 s22, $0x7  }
0x1c: {  	s16 =	simm.s32 @!p3 $0x0  }
0x1d: {  	s23 =	sadd.s32 s16, s12  }
0x1e: {  	s24 =	smov.u32 s13;
	s16 =	sadd.s32 $0x800, s13;
	p4 =	sgt.s32 s23, $0x4  }
0x1f: {  	s24 =	smov.u32 @p4 s16  }
0x20: {  	s21 =	simm.s32 @p2 $0x0;
	s16 =	simm.s32 $0x1;
	p2 =	sgt.s32 s24, $0x7FF  }
0x21: {  	p1 =	slt.u32 s15, $0x2;
	s16 =	simm.s32 @!p2 $0x0  }
0x22: {  	s18 =	smov.u32 s11;
	s19 =	smov.u32 s12;
	s26 =	sadd.s32 s16, s14  }
0x23: {  	s17 =	smov.u32 s13;
	s24 =	smov.u32 @p2 s1;
	p2 =	sgt.s32 s26, $0x2  }
0x24: {  	s25 =	simm.s32 @!p1 $0x2;
	s26 =	simm.s32 @p2 $0x0;
	p2 =	sne.s32 s15, s8  }
.Ltmp1:
0x25: {  	s20 =	smov.u32 s14;
	_ =	swait.ge @!p1 [sflag:s25], $0x400;
	(pc) =	sbr.rel @!p2 .LBB1_6-.Ltmp1, $4  }
0x26: {  	p0 =	por !p0, !p0;
	[sflag:s25] =	ssyncset.done @!p1 $0x0;
	s22 =	smov.u32 @p3 s2  }
0x27: {  	[sflag:s25] =	ssyncadd.s32 @!p1 $0xFFFFFC00;
	s11 =	smov.u32 s22;
	s23 =	simm.s32 @p4 $0x0  }
0x28: {  	s12 =	smov.u32 s23;
	s16 =	smov.u32 s10;
	s10 =	smov.u32 s21  }
0x29: {  	s13 =	smov.u32 s24;
	s15 =	sadd.s32 $0x1, s15;
	s14 =	smov.u32 s26  }
.LBB1_1:
0x2a: {  	p1 =	sge.u32 s15, s5  }
0x2b: {  	s21 =	smul.u32 @!p1 $0xA00000, s14  }
0x2c: {  	s22 =	smul.u32 @!p1 $0x1400, s13  }
0x2d: {  	s31 =	sadd.s32 $0xFFFFFFFF, s15;
	s23 =	sxor.u32 @!p1 $0xFFFFFFFF, s15;
	s21 =	sadd.s32 @!p1 s6, s21  }
0x2e: {  	s24 =	sshll.u32 @!p1 s12, $0xA;
	s25 =	sshll.u32 @!p1 s10, $0x4;
	s21 =	sadd.s32 @!p1 s22, s21  }
0x2f: {  	s23 =	sshll.u32 @!p1 s23, $0xA;
	s22 =	sshll.u32 @!p1 s11, $0x7;
	s21 =	sadd.s32 @!p1 s24, s21  }
0x30: {  	s23 =	sand.u32 @!p1 $0x400, s23;
	s24 =	sand.u32 @!p1 $0x70, s25;
	s21 =	sadd.s32 @!p1 s22, s21  }
0x31: {  	s22 =	simm.s32 @!p1 $0x8;
	s21 =	sadd.s32 @!p1 s24, s21;
	s24 =	simm.s32 @!p1 $0xA000  }
0x32: {  	[tilespmem:s23], [sflag:$0x1] =	stream.strided.gather @!p1 [hbm4b:s21+s22], $0x400, s24, s22, $0x38;
	[tilespmem:$0x1010] =	vst v63  }
0x33: {  	p1 =	sge.u32 s31, s5  }
.Ltmp2:
0x34: {  	_ = 	snop;
	(pc) =	sbr.rel @p1 .LBB1_5-.Ltmp2, $1  }
0x35: {  	_ =	sdelay $0x3  }
0x36: {  	s21 =	simm.s32 $0x1  }
0x37: {  	s21 =	simm.s32 @!p0 $0x0  }
0x38: {  	s22 =	sshll.u32 s21, $0xA  }
0x39: {  	v1 =	vmov s22;
	_ =	sdelay $0x1  }
0x3a: {  	_ =	swait.ge [sflag:s4], $0x400  }
0x3b: {  	s31 =	sand.u32 $0x1, s15;
	[sflag:s4] =	ssyncset.done $0x0  }
0x3c: {  	s24 =	simm.s32 $0x0;
	s21 =	smul.u32 $0x1020, s21;
	[sflag:s4] =	ssyncadd.s32 $0xFFFFFC00  }
0x3d: {  	s22 =	smul.u32 $0x1020, s31;
	v0 =	vld.idx.msk [tilespmem:v1+s24+$0x0 ss:$0x1], $0xff;
	_ =	sdelay $0x1  }
0x3e: {  	s21 =	sshrl.u32 s21, $0x2;
	s23 =	sshrl.u32 s22, $0x2  }
0x3f: {  	s22 =	sor.u32 $0x800, s21;
	s21 =	sor.u32 $0x800, s23;
	s23 =	simm.s32 $0x20  }
.LBB1_3:
0x40: {  	s24 =	sshra.s32 s23, $0x2;
	p1 =	sne.s32 s23, $0xFE0;
	s23 =	sadd.s32 $0x20, s23  }
.Ltmp3:
0x41: {  	[tilespmem:s22+$0x0 ss:$0x81] =	vst.msk $0xff, v0;
	v0 =	vld.idx.msk [tilespmem:v1+s24+$0x0 ss:$0x1], $0xff;
	(pc) =	sbr.rel @p1 .LBB1_3-.Ltmp3, $2  }
0x42: {  	_ =	sdelay $0x2  }
0x43: {  	s22 =	sadd.s32 $0x1, s22  }
.Ltmp4:
0x44: {  	_ = 	snop;
	(pc) =	sbr.rel .LBB1_4-.Ltmp4, $1  }
0x45: {  	_ =	sdelay $0x3  }
.LBB1_6:
0x46: {  	_ =	sfence.sel $0x180000  }
0x47: {  	s1 =	simm.s32 $0x1;
	[bflag:$0x0] =	sbarrier.arrive $0xFFFF  }
0x48: {  	s31 =	simm.s32 $0x2;
	[sflag:s1] =	ssyncpa.u1 $0x1  }
0x49: {  	[sflag:s31] =	ssyncpa.u1 $0x1  }
0x4a: {  	p0 =	sne.s32 s0, $0x0;
	_ =	strace $0x9000004D  }
0x4b: {  	s0 =	sadd.s32 @!p0 $0x100000, s3;
	[bflag:$0x2] =	sbarrier.arrive $0xFFFF  }
0x4c: {  	[sflag:s0] =	ssyncadd.tile.s32 @!p0 $0x1;
	_ =	shalt  }
.Lfunc_end1:
_tile_overlayer_lowered:
.L_overlay_start_2:
0x4d: {  	(tag) =	ssettag $0x2  }
0x4e: {  	s0 =	rddreg [dreg:$0x0];
	s2 =	stileid.u32  }
0x4f: {  	s1 =	rddreg [dreg:$0x1];
	p0 =	sne.s32 s2, $0x0  }
0x50: {  	s3 =	rddreg [dreg:$0x2];
	[bflag:$0x3] =	sbarrier.arrive $0xFFFF;
	s2 =	simm.s32 @!p0 $0x1C01  }
0x51: {  	[timem:s3], [sflag:s2] =	dma.local @!p0 [hbm:s0], s1  }
0x52: {  	s0 =	simm.s32 @!p0 $0x1  }
0x53: {  	_ =	swait.ge @!p0 [sflag:s0], s1  }
0x54: {  	s1 =	ssub.s32 @!p0 $0x0, s1;
	[sflag:s0] =	ssyncset.done @!p0 $0x0  }
0x55: {  	[sflag:s0] =	ssyncadd.s32 @!p0 s1  }
0x56: {  	[bflag:$0x3] =	sbarrier.arrive $0xFFFF  }
0x57: {  	_ =	shalt  }

</sc_bundles>
